<compile_context>
chip_gen: v7x
topology: tpu7x:2x2x1
jax: 0.10.2.dev20260603
libtpu: 0.0.44.dev20260713+nightly
codegen_flags: <defaults>
</compile_context>

<pallas_src>
import jax
import jax.numpy as jnp
from jax.experimental import pallas as pl
from jax.experimental.pallas import tpu as pltpu
from jax.experimental.pallas import tpu_sc as plsc

NUM_MODELS = 8
STATE_DIM = 256
AC_DIM = 64
HIDDEN = 512
BATCH = 4096
IN_DIM = STATE_DIM + AC_DIM

IN_PAD = 384
R = 256
T_MAX = -(-BATCH // R) + NUM_MODELS
PADB = T_MAX * R
WINDOW = 128


def _sc_mesh():
    return plsc.VectorSubcoreMesh(core_axis_name="core",
                                  subcore_axis_name="subcore")


def _sc_scatter_rows(vals, dst, out_rows):
    n, d = vals.shape
    dst2 = dst.reshape(1, n)

    @pl.kernel(out_type=jax.ShapeDtypeStruct((out_rows, d), vals.dtype),
               mesh=_sc_mesh())
    def k(v_hbm, i_hbm, o_hbm):
        def body(v_vmem, i_vmem):
            pltpu.sync_copy(v_vmem, o_hbm.at[i_vmem.at[0]])

        pltpu.emit_pipeline(
            body,
            grid=(n // WINDOW,),
            in_specs=[pl.BlockSpec((WINDOW, d), index_map=lambda i: (i, 0)),
                      pl.BlockSpec((1, WINDOW), index_map=lambda i: (0, i))],
            out_specs=[],
            core_axis_name=("core", "subcore"),
            dimension_semantics=(pltpu.PARALLEL,),
        )(v_hbm, i_hbm)

    return k(vals, dst2)


def _sc_gather_rows(data, g):
    n = g.shape[0]
    d = data.shape[1]
    g2 = g.reshape(1, n)

    @pl.kernel(out_type=jax.ShapeDtypeStruct((n, d), data.dtype),
               mesh=_sc_mesh())
    def k(x_hbm, i_hbm, o_hbm):
        def body(i_vmem, o_vmem):
            pltpu.sync_copy(x_hbm.at[i_vmem.at[0]], o_vmem)

        pltpu.emit_pipeline(
            body,
            grid=(n // WINDOW,),
            in_specs=[pl.BlockSpec((1, WINDOW), index_map=lambda i: (0, i))],
            out_specs=[pl.BlockSpec((WINDOW, d), index_map=lambda i: (i, 0))],
            core_axis_name=("core", "subcore"),
            dimension_semantics=(pltpu.PARALLEL,),
        )(i_hbm, o_hbm)

    return k(data, g2)


_MROWS = 32


def _meta_kernel(idx_ref, slot_ref, te_ref):
    idx2 = idx_ref[...]
    up = (jax.lax.broadcasted_iota(jnp.int32, (128, 128), 0) <
          jax.lax.broadcasted_iota(jnp.int32, (128, 128), 1)
          ).astype(jnp.bfloat16)
    lo = (jax.lax.broadcasted_iota(jnp.int32, (_MROWS, _MROWS), 0) >
          jax.lax.broadcasted_iota(jnp.int32, (_MROWS, _MROWS), 1)
          ).astype(jnp.bfloat16)
    slot = jnp.zeros((_MROWS, 128), jnp.float32)
    ps = jnp.int32(0)
    tile_cum = []
    for e in range(NUM_MODELS):
        m = idx2 == e
        mb = m.astype(jnp.bfloat16)
        lane_pref = jnp.dot(mb, up, preferred_element_type=jnp.float32)
        col_pref = jnp.dot(lo, mb, preferred_element_type=jnp.float32)
        row_off = jnp.sum(col_pref, axis=1, keepdims=True)
        rank = lane_pref + row_off
        count_e = jnp.sum(mb.astype(jnp.float32)).astype(jnp.int32)
        slot = slot + jnp.where(m, rank + ps.astype(jnp.float32), 0.0)
        ps = ps + ((count_e + R - 1) // R) * R
        tile_cum.append(ps // R)
    slot_ref[...] = slot.astype(jnp.int32)
    lane = jax.lax.broadcasted_iota(jnp.int32, (1, 128), 1)
    te = jnp.zeros((1, 128), jnp.int32)
    for e in range(NUM_MODELS):
        te = te + (lane >= tile_cum[e]).astype(jnp.int32)
    te_ref[...] = jnp.minimum(te, NUM_MODELS - 1)


def _routing_meta(idx):
    slot2, te_pad = pl.pallas_call(
        _meta_kernel,
        out_shape=[jax.ShapeDtypeStruct((_MROWS, 128), jnp.int32),
                   jax.ShapeDtypeStruct((1, 128), jnp.int32)],
    )(idx.reshape(_MROWS, 128))
    return slot2.reshape(BATCH), te_pad[0, :T_MAX]


def _mlp_kernel(te_ref, xp_ref, w1_ref, b1_ref, w2_ref, b2_ref, w3_ref,
                b3_ref, o_ref):
    xb = xp_ref[...].astype(jnp.bfloat16)[:, :IN_DIM]
    h = jnp.maximum(
        jnp.dot(xb, w1_ref[0].astype(jnp.bfloat16),
                preferred_element_type=jnp.float32)
        + b1_ref[0, 0], 0.0).astype(jnp.bfloat16)
    h = jnp.maximum(
        jnp.dot(h, w2_ref[0].astype(jnp.bfloat16),
                preferred_element_type=jnp.float32)
        + b2_ref[0, 0], 0.0).astype(jnp.bfloat16)
    o_ref[...] = (jnp.dot(h, w3_ref[0].astype(jnp.bfloat16),
                          preferred_element_type=jnp.float32)
                  + b3_ref[0, 0])


def _grouped_mlp(te, x_pad, W1, b1, W2, b2, W3, b3):
    grid_spec = pltpu.PrefetchScalarGridSpec(
        num_scalar_prefetch=1,
        grid=(T_MAX,),
        in_specs=[
            pl.BlockSpec((R, IN_PAD), lambda t, te: (t, 0)),
            pl.BlockSpec((1, IN_DIM, HIDDEN), lambda t, te: (te[t], 0, 0)),
            pl.BlockSpec((1, 1, HIDDEN), lambda t, te: (te[t], 0, 0)),
            pl.BlockSpec((1, HIDDEN, HIDDEN), lambda t, te: (te[t], 0, 0)),
            pl.BlockSpec((1, 1, HIDDEN), lambda t, te: (te[t], 0, 0)),
            pl.BlockSpec((1, HIDDEN, STATE_DIM), lambda t, te: (te[t], 0, 0)),
            pl.BlockSpec((1, 1, STATE_DIM), lambda t, te: (te[t], 0, 0)),
        ],
        out_specs=pl.BlockSpec((R, STATE_DIM), lambda t, te: (t, 0)),
    )
    return pl.pallas_call(
        _mlp_kernel,
        grid_spec=grid_spec,
        out_shape=jax.ShapeDtypeStruct((PADB, STATE_DIM), jnp.float32),
    )(te, x_pad,
      W1, b1.reshape(NUM_MODELS, 1, HIDDEN),
      W2, b2.reshape(NUM_MODELS, 1, HIDDEN),
      W3, b3.reshape(NUM_MODELS, 1, STATE_DIM))


@jax.jit
def kernel(states, actions, index, W1, b1, W2, b2, W3, b3):
    x = jnp.concatenate(
        [states, actions,
         jnp.zeros((BATCH, IN_PAD - IN_DIM), states.dtype)], axis=-1)
    idx = index.astype(jnp.int32)

    slot, te_c = _routing_meta(idx)

    x_pad = _sc_scatter_rows(x, slot, PADB)
    o_pad = _grouped_mlp(te_c, x_pad, W1, b1, W2, b2, W3, b3)
    return _sc_gather_rows(o_pad, slot)

# --- scband reference (transcript-rebuilt; emitter-appended) ---
"""Pipeline reference for scband-dynamics-model-35373350649915 (READ-ONLY COPY).

The authoritative reference and input builder live on the scoring server;
editing this copy changes nothing except your own understanding.
"""

import jax, jax.numpy as jnp
import numpy as np

NUM_MODELS = 8
STATE_DIM = 256
AC_DIM = 64
HIDDEN = 512
BATCH = 4096


def setup_inputs(seed: int = 0) -> dict:
    key = jax.random.key(seed)
    ks = jax.random.split(key, 9)
    states = jax.random.normal(ks[0], (BATCH, STATE_DIM), dtype=jnp.float32)
    actions = jax.random.normal(ks[1], (BATCH, AC_DIM), dtype=jnp.float32)
    in_dim = STATE_DIM + AC_DIM
    W1 = jax.random.normal(ks[2], (NUM_MODELS, in_dim, HIDDEN), dtype=jnp.float32) * (1.0 / np.sqrt(in_dim))
    b1 = jnp.zeros((NUM_MODELS, HIDDEN), dtype=jnp.float32)
    W2 = jax.random.normal(ks[3], (NUM_MODELS, HIDDEN, HIDDEN), dtype=jnp.float32) * (1.0 / np.sqrt(HIDDEN))
    b2 = jnp.zeros((NUM_MODELS, HIDDEN), dtype=jnp.float32)
    W3 = jax.random.normal(ks[4], (NUM_MODELS, HIDDEN, STATE_DIM), dtype=jnp.float32) * (1.0 / np.sqrt(HIDDEN))
    b3 = jnp.zeros((NUM_MODELS, STATE_DIM), dtype=jnp.float32)
    # torch.randint(num_models, (B,)) inside predict(); materialized here for determinism
    index = jax.random.randint(ks[5], (BATCH,), 0, NUM_MODELS, dtype=jnp.int64) if jax.config.jax_enable_x64 else jax.random.randint(ks[5], (BATCH,), 0, NUM_MODELS, dtype=jnp.int32)
    return {
        'states': states,
        'actions': actions,
        'index': index,
        'W1': W1, 'b1': b1,
        'W2': W2, 'b2': b2,
        'W3': W3, 'b3': b3,
    }


def reference(states, actions, index, W1, b1, W2, b2, W3, b3):
    # DynamicsModel.predict: each sample routed to one random ensemble member
    # (top-1 MoE-style routing). Each Dynamics expert is an MLP:
    # concat(state, action) -> Linear -> ReLU -> Linear -> ReLU -> Linear -> next_state.
    x = jnp.concatenate([states, actions], axis=-1)  # [B, state_dim + ac_dim]

    def expert(W1_i, b1_i, W2_i, b2_i, W3_i, b3_i):
        h = jnp.maximum(x @ W1_i + b1_i, 0.0)
        h = jnp.maximum(h @ W2_i + b2_i, 0.0)
        return h @ W3_i + b3_i  # [B, state_dim]

    all_out = jax.vmap(expert)(W1, b1, W2, b2, W3, b3)  # [E, B, state_dim]
    # scatter-style assignment pred[idx] = model_i(states[idx], actions[idx])
    onehot = jax.nn.one_hot(index, NUM_MODELS, dtype=states.dtype)  # [B, E]
    pred_next_states = jnp.einsum('ebd,be->bd', all_out, onehot)
    return pred_next_states

if __name__ == "__main__":
    import jax
    _d = setup_inputs()
    print(jax.jit(kernel)(*tuple(_d.values())))

</pallas_src>

<mosaic_0001>
#map = affine_map<(d0, d1) -> (0, 0)>
module attributes {stable_mosaic.version = 14 : i64} {
  func.func @k(%arg0: i32, %arg1: i32, %arg2: memref<6144x256xf32, #tpu.memory_space<hbm>>, %arg3: memref<1x4096xi32, #tpu.memory_space<hbm>>, %arg4: memref<4096x256xf32, #tpu.memory_space<hbm>>) attributes {dimension_semantics = [#tpu.dimension_semantics<core_parallel>, #tpu.dimension_semantics<subcore_parallel>], iteration_bounds = array<i64: 2, 16>, scalar_prefetch = 0 : i64, scratch_operands = 0 : i64, tpu.core_type = #tpu.core_type<sc_vector_subcore>, window_params = [{transform_indices = #map}, {transform_indices = #map}, {transform_indices = #map}]} {
    %mul3A = arith.constant 1 : i32
    %mul3A_0 = arith.muli %arg1, %mul3A : i32
    %add3A = arith.constant 0 : i32
    %add3A_1 = arith.addi %add3A, %mul3A_0 : i32
    %mul3A_2 = arith.constant 16 : i32
    %mul3A_3 = arith.muli %arg0, %mul3A_2 : i32
    %add3A_4 = arith.addi %add3A_1, %mul3A_3 : i32
    %mul3A_5 = arith.constant 1 : i32
    %mul3A_6 = arith.muli %add3A_4, %mul3A_5 : i32
    "tpu.region"() ({
      %run_scoped3A = memref.alloca() : memref<2x1x128xi32, #tpu.memory_space<vmem>>
      %run_scoped3A_7 = tpu.sem_alloc : memref<2x!tpu.dma_semaphore, #tpu.memory_space<semaphore_mem>>
      %run_scoped3A_8 = memref.alloca() : memref<2x128x256xf32, #tpu.memory_space<vmem>>
      %run_scoped3A_9 = tpu.sem_alloc : memref<2x!tpu.dma_semaphore, #tpu.memory_space<semaphore_mem>>
      %add3A_10 = arith.constant 0 : i32
      %add3A_11 = arith.addi %add3A_10, %mul3A_6 : i32
      %select_n3A = arith.constant true
      %select_n3A_12 = arith.constant 0 : i32
      %select_n3A_13 = arith.constant -1 : i32
      %select_n3A_14 = arith.select %select_n3A, %select_n3A_13, %select_n3A_12 : i32
      %eq3A = arith.constant -1 : i32
      %eq3A_15 = arith.cmpi eq, %select_n3A_14, %eq3A : i32
      %select_n3A_16 = arith.constant 0 : i32
      %select_n3A_17 = arith.select %eq3A_15, %select_n3A_16, %select_n3A_14 : i32
      %add3A_18 = arith.constant 0 : i32
      %add3A_19 = arith.addi %add3A_18, %mul3A_6 : i32
      %select_n3A_20 = arith.constant true
      %select_n3A_21 = arith.constant 0 : i32
      %select_n3A_22 = arith.constant 1 : i32
      %select_n3A_23 = arith.select %select_n3A_20, %select_n3A_22, %select_n3A_21 : i32
      %eq3A_24 = arith.constant 1 : i32
      %eq3A_25 = arith.cmpi eq, %select_n3A_23, %eq3A_24 : i32
      %select_n3A_26 = arith.constant 0 : i32
      %select_n3A_27 = arith.select %eq3A_25, %select_n3A_26, %select_n3A_23 : i32
      %add3A_28 = arith.constant 0 : i32
      %add3A_29 = arith.addi %add3A_28, %mul3A_6 : i32
      %select_n3A_30 = arith.constant true
      %select_n3A_31 = arith.constant 0 : i32
      %select_n3A_32 = arith.constant 1 : i32
      %select_n3A_33 = arith.select %select_n3A_30, %select_n3A_32, %select_n3A_31 : i32
      %eq3A_34 = arith.constant 1 : i32
      %eq3A_35 = arith.cmpi eq, %select_n3A_33, %eq3A_34 : i32
      %select_n3A_36 = arith.constant 0 : i32
      %select_n3A_37 = arith.select %eq3A_35, %select_n3A_36, %select_n3A_33 : i32
      %add3A_38 = arith.constant 0 : i32
      %add3A_39 = arith.addi %add3A_38, %mul3A_6 : i32
      "tpu.trace_start"() <{level = 10 : i32, message = "ep_initialize_0"}> : () -> ()
      %rem3A = arith.constant 0 : i32
      %rem3A_40 = arith.constant 2 : i32
      %rem3A_41 = arith.remui %rem3A, %rem3A_40 : i32
      %mul3A_42 = arith.constant 128 : i32
      %mul3A_43 = arith.muli %mul3A_42, %add3A_11 : i32
      %dma_start3A = arith.constant 0 : i32
      %dma_start3A_44 = arith.constant 0 : i32
      %dma_start3A_45 = tpu.memref_slice %run_scoped3A[%rem3A_41, %dma_start3A, %dma_start3A_44] : memref<2x1x128xi32, #tpu.memory_space<vmem>> -> memref<1x1x128xi32, #tpu.memory_space<vmem>>
      %dma_start3A_46 = tpu.memref_squeeze %dma_start3A_45 : memref<1x1x128xi32, #tpu.memory_space<vmem>> -> memref<1x128xi32, #tpu.memory_space<vmem>>
      %dma_start3A_47 = arith.constant 0 : i32
      %dma_start3A_48 = tpu.memref_slice %arg3[%dma_start3A_47, %mul3A_43] : memref<1x4096xi32, #tpu.memory_space<hbm>> -> memref<1x128xi32, #tpu.memory_space<hbm>>
      %dma_start3A_49 = tpu.memref_slice %run_scoped3A_7[%rem3A_41] : memref<2x!tpu.dma_semaphore, #tpu.memory_space<semaphore_mem>> -> memref<1x!tpu.dma_semaphore, #tpu.memory_space<semaphore_mem>>
      %dma_start3A_50 = tpu.memref_squeeze %dma_start3A_49 : memref<1x!tpu.dma_semaphore, #tpu.memory_space<semaphore_mem>> -> memref<!tpu.dma_semaphore, #tpu.memory_space<semaphore_mem>>
      %dma_start3A_51 = arith.constant 0 : i32
      %dma_start3A_52 = arith.constant 0 : i32
      %dma_start3A_53 = tpu.memref_slice %run_scoped3A[%rem3A_41, %dma_start3A_51, %dma_start3A_52] : memref<2x1x128xi32, #tpu.memory_space<vmem>> -> memref<1x1x128xi32, #tpu.memory_space<vmem>>
      %dma_start3A_54 = tpu.memref_squeeze %dma_start3A_53 : memref<1x1x128xi32, #tpu.memory_space<vmem>> -> memref<1x128xi32, #tpu.memory_space<vmem>>
      %dma_start3A_55 = arith.constant 0 : i32
      %dma_start3A_56 = tpu.memref_slice %arg3[%dma_start3A_55, %mul3A_43] : memref<1x4096xi32, #tpu.memory_space<hbm>> -> memref<1x128xi32, #tpu.memory_space<hbm>>
      tpu.enqueue_dma source(%dma_start3A_56 : memref<1x128xi32, #tpu.memory_space<hbm>>) target(%dma_start3A_54 : memref<1x128xi32, #tpu.memory_space<vmem>>) target_semaphore(%dma_start3A_50 : memref<!tpu.dma_semaphore, #tpu.memory_space<semaphore_mem>>)
      %add3A_57 = arith.constant 0 : i32
      %add3A_58 = arith.constant 1 : i32
      %add3A_59 = arith.addi %add3A_57, %add3A_58 : i32
      %select_n3A_60 = arith.constant true
      %select_n3A_61 = arith.constant 0 : i32
      %select_n3A_62 = arith.select %select_n3A_60, %add3A_59, %select_n3A_61 : i32
      "tpu.trace_stop"() : () -> ()
      %scan3A = arith.constant 0 : i32
      %scan3A_63 = arith.constant 0 : i32
      %scan3A_64 = arith.constant 0 : i32
      %scan3A_65 = arith.constant 0 : i32
      %scan3A_66 = arith.constant 0 : i32
      %eq3A_67 = arith.constant 0 : i32
      %eq3A_68 = arith.cmpi eq, %scan3A_66, %eq3A_67 : i32
      %eq3A_69 = arith.constant 0 : i32
      %eq3A_70 = arith.cmpi eq, %scan3A_66, %eq3A_69 : i32
      %add3A_71 = arith.constant 0 : i32
      %add3A_72 = arith.addi %add3A_71, %mul3A_6 : i32
      %select_n3A_73 = arith.constant true
      %select_n3A_74 = arith.constant 0 : i32
      %select_n3A_75 = arith.constant -1 : i32
      %select_n3A_76 = arith.select %select_n3A_73, %select_n3A_75, %select_n3A_74 : i32
      %eq3A_77 = arith.constant -1 : i32
      %eq3A_78 = arith.cmpi eq, %select_n3A_76, %eq3A_77 : i32
      %select_n3A_79 = arith.constant 0 : i32
      %select_n3A_80 = arith.select %eq3A_78, %select_n3A_79, %select_n3A_76 : i32
      %add3A_81 = arith.constant 0 : i32
      %add3A_82 = arith.addi %add3A_81, %mul3A_6 : i32
      %select_n3A_83 = arith.constant true
      %select_n3A_84 = arith.constant 0 : i32
      %select_n3A_85 = arith.constant 1 : i32
      %select_n3A_86 = arith.select %select_n3A_83, %select_n3A_85, %select_n3A_84 : i32
      %eq3A_87 = arith.constant 1 : i32
      %eq3A_88 = arith.cmpi eq, %select_n3A_86, %eq3A_87 : i32
      %select_n3A_89 = arith.constant 0 : i32
      %select_n3A_90 = arith.select %eq3A_88, %select_n3A_89, %select_n3A_86 : i32
      %add3A_91 = arith.constant 0 : i32
      %add3A_92 = arith.addi %add3A_91, %mul3A_6 : i32
      %select_n3A_93 = arith.constant true
      %select_n3A_94 = arith.constant 0 : i32
      %select_n3A_95 = arith.constant 1 : i32
      %select_n3A_96 = arith.select %select_n3A_93, %select_n3A_95, %select_n3A_94 : i32
      %eq3A_97 = arith.constant 1 : i32
      %eq3A_98 = arith.cmpi eq, %select_n3A_96, %eq3A_97 : i32
      %select_n3A_99 = arith.constant 0 : i32
      %select_n3A_100 = arith.select %eq3A_98, %select_n3A_99, %select_n3A_96 : i32
      %add3A_101 = arith.constant 0 : i32
      %add3A_102 = arith.addi %add3A_101, %mul3A_6 : i32
      %ne3A = arith.cmpi ne, %add3A_72, %add3A_92 : i32
      %or3A = arith.constant false
      %or3A_103 = arith.ori %or3A, %ne3A : i1
      %ge3A = arith.constant 0 : i32
      %ge3A_104 = arith.cmpi sge, %scan3A_66, %ge3A : i32
      %not3A = arith.constant true
      %not3A_105 = arith.xori %ge3A_104, %not3A : i1
      %and3A = arith.andi %or3A_103, %not3A_105 : i1
      %convert_element_type3A = arith.extui %and3A : i1 to i32
      %cond3A = arith.constant 0 : i32
      %cond3A_106 = arith.cmpi ne, %convert_element_type3A, %cond3A : i32
      scf.if %cond3A_106 {
        "tpu.trace_start"() <{level = 10 : i32, message = "ep_copy_in"}> : () -> ()
        %rem3A_266 = arith.constant 2 : i32
        %rem3A_267 = arith.remui %select_n3A_62, %rem3A_266 : i32
        %mul3A_268 = arith.constant 128 : i32
        %mul3A_269 = arith.muli %mul3A_268, %add3A_92 : i32
        %dma_start3A_270 = arith.constant 0 : i32
        %dma_start3A_271 = arith.constant 0 : i32
        %dma_start3A_272 = tpu.memref_slice %run_scoped3A[%rem3A_267, %dma_start3A_270, %dma_start3A_271] : memref<2x1x128xi32, #tpu.memory_space<vmem>> -> memref<1x1x128xi32, #tpu.memory_space<vmem>>
        %dma_start3A_273 = tpu.memref_squeeze %dma_start3A_272 : memref<1x1x128xi32, #tpu.memory_space<vmem>> -> memref<1x128xi32, #tpu.memory_space<vmem>>
        %dma_start3A_274 = arith.constant 0 : i32
        %dma_start3A_275 = tpu.memref_slice %arg3[%dma_start3A_274, %mul3A_269] : memref<1x4096xi32, #tpu.memory_space<hbm>> -> memref<1x128xi32, #tpu.memory_space<hbm>>
        %dma_start3A_276 = tpu.memref_slice %run_scoped3A_7[%rem3A_267] : memref<2x!tpu.dma_semaphore, #tpu.memory_space<semaphore_mem>> -> memref<1x!tpu.dma_semaphore, #tpu.memory_space<semaphore_mem>>
        %dma_start3A_277 = tpu.memref_squeeze %dma_start3A_276 : memref<1x!tpu.dma_semaphore, #tpu.memory_space<semaphore_mem>> -> memref<!tpu.dma_semaphore, #tpu.memory_space<semaphore_mem>>
        %dma_start3A_278 = arith.constant 0 : i32
        %dma_start3A_279 = arith.constant 0 : i32
        %dma_start3A_280 = tpu.memref_slice %run_scoped3A[%rem3A_267, %dma_start3A_278, %dma_start3A_279] : memref<2x1x128xi32, #tpu.memory_space<vmem>> -> memref<1x1x128xi32, #tpu.memory_space<vmem>>
        %dma_start3A_281 = tpu.memref_squeeze %dma_start3A_280 : memref<1x1x128xi32, #tpu.memory_space<vmem>> -> memref<1x128xi32, #tpu.memory_space<vmem>>
        %dma_start3A_282 = arith.constant 0 : i32
        %dma_start3A_283 = tpu.memref_slice %arg3[%dma_start3A_282, %mul3A_269] : memref<1x4096xi32, #tpu.memory_space<hbm>> -> memref<1x128xi32, #tpu.memory_space<hbm>>
        tpu.enqueue_dma source(%dma_start3A_283 : memref<1x128xi32, #tpu.memory_space<hbm>>) target(%dma_start3A_281 : memref<1x128xi32, #tpu.memory_space<vmem>>) target_semaphore(%dma_start3A_277 : memref<!tpu.dma_semaphore, #tpu.memory_space<semaphore_mem>>)
        "tpu.trace_stop"() : () -> ()
      } else {
      }
      %and3A_107 = arith.constant true
      %and3A_108 = arith.andi %and3A, %and3A_107 : i1
      %add3A_109 = arith.constant 1 : i32
      %add3A_110 = arith.addi %select_n3A_62, %add3A_109 : i32
      %select_n3A_111 = arith.select %and3A_108, %add3A_110, %select_n3A_62 : i32
      %ne3A_112 = arith.cmpi ne, %add3A_72, %add3A_92 : i32
      %or3A_113 = arith.constant false
      %or3A_114 = arith.ori %or3A_113, %ne3A_112 : i1
      %or3A_115 = arith.constant false
      %or3A_116 = arith.ori %or3A_114, %or3A_115 : i1
      %ge3A_117 = arith.constant 0 : i32
      %ge3A_118 = arith.cmpi sge, %scan3A_66, %ge3A_117 : i32
      %not3A_119 = arith.constant true
      %not3A_120 = arith.xori %ge3A_118, %not3A_119 : i1
      %and3A_121 = arith.andi %or3A_116, %not3A_120 : i1
      %ne3A_122 = arith.cmpi ne, %add3A_72, %add3A_82 : i32
      %or3A_123 = arith.constant false
      %or3A_124 = arith.ori %or3A_123, %ne3A_122 : i1
      %or3A_125 = arith.ori %or3A_124, %eq3A_68 : i1
      %convert_element_type3A_126 = arith.extui %or3A_125 : i1 to i32
      %cond3A_127 = arith.constant 0 : i32
      %cond3A_128 = arith.cmpi ne, %convert_element_type3A_126, %cond3A_127 : i32
      scf.if %cond3A_128 {
        "tpu.trace_start"() <{level = 10 : i32, message = "ep_wait_in"}> : () -> ()
        %mul3A_266 = arith.constant 128 : i32
        %mul3A_267 = arith.muli %mul3A_266, %add3A_72 : i32
        %rem3A_268 = arith.constant 2 : i32
        %rem3A_269 = arith.remui %scan3A, %rem3A_268 : i32
        %dma_wait3A_270 = arith.constant 0 : i32
        %dma_wait3A_271 = arith.constant 0 : i32
        %dma_wait3A_272 = tpu.memref_slice %run_scoped3A[%rem3A_269, %dma_wait3A_270, %dma_wait3A_271] : memref<2x1x128xi32, #tpu.memory_space<vmem>> -> memref<1x1x128xi32, #tpu.memory_space<vmem>>
        %dma_wait3A_273 = tpu.memref_squeeze %dma_wait3A_272 : memref<1x1x128xi32, #tpu.memory_space<vmem>> -> memref<1x128xi32, #tpu.memory_space<vmem>>
        %dma_wait3A_274 = arith.constant 0 : i32
        %dma_wait3A_275 = tpu.memref_slice %arg3[%dma_wait3A_274, %mul3A_267] : memref<1x4096xi32, #tpu.memory_space<hbm>> -> memref<1x128xi32, #tpu.memory_space<hbm>>
        %dma_wait3A_276 = tpu.memref_slice %run_scoped3A_7[%rem3A_269] : memref<2x!tpu.dma_semaphore, #tpu.memory_space<semaphore_mem>> -> memref<1x!tpu.dma_semaphore, #tpu.memory_space<semaphore_mem>>
        %dma_wait3A_277 = tpu.memref_squeeze %dma_wait3A_276 : memref<1x!tpu.dma_semaphore, #tpu.memory_space<semaphore_mem>> -> memref<!tpu.dma_semaphore, #tpu.memory_space<semaphore_mem>>
        %dma_wait3A_278 = arith.constant 0 : i32
        %dma_wait3A_279 = arith.constant 0 : i32
        %dma_wait3A_280 = tpu.memref_slice %run_scoped3A[%rem3A_269, %dma_wait3A_278, %dma_wait3A_279] : memref<2x1x128xi32, #tpu.memory_space<vmem>> -> memref<1x1x128xi32, #tpu.memory_space<vmem>>
        %dma_wait3A_281 = tpu.memref_squeeze %dma_wait3A_280 : memref<1x1x128xi32, #tpu.memory_space<vmem>> -> memref<1x128xi32, #tpu.memory_space<vmem>>
        %dma_wait3A_282 = arith.constant 0 : i32
        %dma_wait3A_283 = tpu.memref_slice %arg3[%dma_wait3A_282, %mul3A_267] : memref<1x4096xi32, #tpu.memory_space<hbm>> -> memref<1x128xi32, #tpu.memory_space<hbm>>
        tpu.wait_dma2 semaphore(%dma_wait3A_277 : memref<!tpu.dma_semaphore, #tpu.memory_space<semaphore_mem>>) src(%dma_wait3A_283 : memref<1x128xi32, #tpu.memory_space<hbm>>) dst(%dma_wait3A_281 : memref<1x128xi32, #tpu.memory_space<vmem>>)
        "tpu.trace_stop"() : () -> ()
      } else {
      }
      %ne3A_129 = arith.cmpi ne, %add3A_72, %add3A_82 : i32
      %or3A_130 = arith.constant false
      %or3A_131 = arith.ori %or3A_130, %ne3A_129 : i1
      %or3A_132 = arith.constant false
      %or3A_133 = arith.ori %or3A_131, %or3A_132 : i1
      %or3A_134 = arith.ori %or3A_133, %eq3A_68 : i1
      %convert_element_type3A_135 = arith.extui %or3A_134 : i1 to i32
      %cond3A_136 = arith.constant 0 : i32
      %cond3A_137 = arith.cmpi ne, %convert_element_type3A_135, %cond3A_136 : i32
      scf.if %cond3A_137 {
      } else {
      }
      %rem3A_138 = arith.constant 2 : i32
      %rem3A_139 = arith.remui %scan3A, %rem3A_138 : i32
      %rem3A_140 = arith.constant 2 : i32
      %rem3A_141 = arith.remui %scan3A_63, %rem3A_140 : i32
      %run_scoped3A_142 = arith.constant 0 : i32
      "tpu.trace_start"() <{level = 10 : i32, message = "ep_run_kernel"}> : () -> ()
      "tpu.region"() ({
        %run_scoped3A_266 = tpu.sem_alloc : memref<!tpu.dma_semaphore, #tpu.memory_space<semaphore_mem>>
        %dma_start3A_267 = arith.constant 0 : i32
        %dma_start3A_268 = arith.constant 0 : i32
        %dma_start3A_269 = tpu.memref_slice %run_scoped3A_8[%rem3A_141, %dma_start3A_267, %dma_start3A_268] : memref<2x128x256xf32, #tpu.memory_space<vmem>> -> memref<1x128x256xf32, #tpu.memory_space<vmem>>
        %dma_start3A_270 = tpu.memref_squeeze %dma_start3A_269 : memref<1x128x256xf32, #tpu.memory_space<vmem>> -> memref<128x256xf32, #tpu.memory_space<vmem>>
        %dma_start3A_271 = arith.constant 0 : i32
        %dma_start3A_272 = arith.constant 0 : i32
        %dma_start3A_273 = tpu.memref_slice %run_scoped3A[%rem3A_139, %dma_start3A_271, %dma_start3A_272] : memref<2x1x128xi32, #tpu.memory_space<vmem>> -> memref<1x1x128xi32, #tpu.memory_space<vmem>>
        %dma_start3A_274 = tpu.memref_squeeze %dma_start3A_273 : memref<1x1x128xi32, #tpu.memory_space<vmem>> -> memref<1x128xi32, #tpu.memory_space<vmem>>
        %dma_start3A_275 = arith.constant 0 : i32
        %dma_start3A_276 = tpu.memref_slice %dma_start3A_274[%run_scoped3A_142, %dma_start3A_275] : memref<1x128xi32, #tpu.memory_space<vmem>> -> memref<1x128xi32, #tpu.memory_space<vmem>>
        %dma_start3A_277 = tpu.memref_squeeze %dma_start3A_276 : memref<1x128xi32, #tpu.memory_space<vmem>> -> memref<128xi32, #tpu.memory_space<vmem>>
        %dma_start3A_278 = arith.constant 0 : i32
        %dma_start3A_279 = arith.constant 0 : i32
        %dma_start3A_280 = tpu.memref_slice %arg2[%dma_start3A_278, %dma_start3A_279] : memref<6144x256xf32, #tpu.memory_space<hbm>> -> memref<6144x256xf32, #tpu.memory_space<hbm>>
        tpu.enqueue_indirect_dma source(%dma_start3A_280 : memref<6144x256xf32, #tpu.memory_space<hbm>>) target(%dma_start3A_270 : memref<128x256xf32, #tpu.memory_space<vmem>>) offsets(%dma_start3A_277 : memref<128xi32, #tpu.memory_space<vmem>>) semaphore(%run_scoped3A_266 : memref<!tpu.dma_semaphore, #tpu.memory_space<semaphore_mem>>)
        %dma_wait3A_281 = arith.constant 0 : i32
        %dma_wait3A_282 = arith.constant 0 : i32
        %dma_wait3A_283 = tpu.memref_slice %run_scoped3A_8[%rem3A_141, %dma_wait3A_281, %dma_wait3A_282] : memref<2x128x256xf32, #tpu.memory_space<vmem>> -> memref<1x128x256xf32, #tpu.memory_space<vmem>>
        %dma_wait3A_284 = tpu.memref_squeeze %dma_wait3A_283 : memref<1x128x256xf32, #tpu.memory_space<vmem>> -> memref<128x256xf32, #tpu.memory_space<vmem>>
        %dma_wait3A_285 = arith.constant 0 : i32
        %dma_wait3A_286 = arith.constant 0 : i32
        %dma_wait3A_287 = tpu.memref_slice %run_scoped3A[%rem3A_139, %dma_wait3A_285, %dma_wait3A_286] : memref<2x1x128xi32, #tpu.memory_space<vmem>> -> memref<1x1x128xi32, #tpu.memory_space<vmem>>
        %dma_wait3A_288 = tpu.memref_squeeze %dma_wait3A_287 : memref<1x1x128xi32, #tpu.memory_space<vmem>> -> memref<1x128xi32, #tpu.memory_space<vmem>>
        %dma_wait3A_289 = arith.constant 0 : i32
        %dma_wait3A_290 = tpu.memref_slice %dma_wait3A_288[%run_scoped3A_142, %dma_wait3A_289] : memref<1x128xi32, #tpu.memory_space<vmem>> -> memref<1x128xi32, #tpu.memory_space<vmem>>
        %dma_wait3A_291 = tpu.memref_squeeze %dma_wait3A_290 : memref<1x128xi32, #tpu.memory_space<vmem>> -> memref<128xi32, #tpu.memory_space<vmem>>
        %dma_wait3A_292 = arith.constant 0 : i32
        %dma_wait3A_293 = arith.constant 0 : i32
        %dma_wait3A_294 = tpu.memref_slice %arg2[%dma_wait3A_292, %dma_wait3A_293] : memref<6144x256xf32, #tpu.memory_space<hbm>> -> memref<6144x256xf32, #tpu.memory_space<hbm>>
        tpu.wait_indirect_dma semaphore(%run_scoped3A_266 : memref<!tpu.dma_semaphore, #tpu.memory_space<semaphore_mem>>) src(%dma_wait3A_294 : memref<6144x256xf32, #tpu.memory_space<hbm>>) dst(%dma_wait3A_284 : memref<128x256xf32, #tpu.memory_space<vmem>>)
        tpu.yield
      }) : () -> ()
      "tpu.trace_stop"() : () -> ()
      %ne3A_143 = arith.cmpi ne, %add3A_72, %add3A_92 : i32
      %or3A_144 = arith.constant false
      %or3A_145 = arith.ori %or3A_144, %ne3A_143 : i1
      %or3A_146 = arith.ori %or3A_145, %eq3A_70 : i1
      %convert_element_type3A_147 = arith.extui %or3A_146 : i1 to i32
      %cond3A_148 = arith.constant 0 : i32
      %cond3A_149 = arith.cmpi ne, %convert_element_type3A_147, %cond3A_148 : i32
      scf.if %cond3A_149 {
      } else {
      }
      %and3A_150 = arith.constant false
      %and3A_151 = arith.andi %or3A_146, %and3A_150 : i1
      %ne3A_152 = arith.cmpi ne, %add3A_72, %add3A_92 : i32
      %or3A_153 = arith.constant false
      %or3A_154 = arith.ori %or3A_153, %ne3A_152 : i1
      %or3A_155 = arith.constant false
      %or3A_156 = arith.ori %or3A_154, %or3A_155 : i1
      %or3A_157 = arith.ori %or3A_156, %eq3A_70 : i1
      %convert_element_type3A_158 = arith.extui %or3A_157 : i1 to i32
      %cond3A_159 = arith.constant 0 : i32
      %cond3A_160 = arith.cmpi ne, %convert_element_type3A_158, %cond3A_159 : i32
      scf.if %cond3A_160 {
        "tpu.trace_start"() <{level = 10 : i32, message = "ep_copy_out"}> : () -> ()
        %rem3A_266 = arith.constant 2 : i32
        %rem3A_267 = arith.remui %scan3A_63, %rem3A_266 : i32
        %mul3A_268 = arith.constant 128 : i32
        %mul3A_269 = arith.muli %mul3A_268, %add3A_72 : i32
        %dma_start3A_270 = arith.constant 0 : i32
        %dma_start3A_271 = arith.constant 0 : i32
        %dma_start3A_272 = tpu.memref_slice %run_scoped3A_8[%rem3A_267, %dma_start3A_270, %dma_start3A_271] : memref<2x128x256xf32, #tpu.memory_space<vmem>> -> memref<1x128x256xf32, #tpu.memory_space<vmem>>
        %dma_start3A_273 = tpu.memref_squeeze %dma_start3A_272 : memref<1x128x256xf32, #tpu.memory_space<vmem>> -> memref<128x256xf32, #tpu.memory_space<vmem>>
        %dma_start3A_274 = arith.constant 0 : i32
        %dma_start3A_275 = tpu.memref_slice %arg4[%mul3A_269, %dma_start3A_274] : memref<4096x256xf32, #tpu.memory_space<hbm>> -> memref<128x256xf32, #tpu.memory_space<hbm>>
        %dma_start3A_276 = tpu.memref_slice %run_scoped3A_9[%rem3A_267] : memref<2x!tpu.dma_semaphore, #tpu.memory_space<semaphore_mem>> -> memref<1x!tpu.dma_semaphore, #tpu.memory_space<semaphore_mem>>
        %dma_start3A_277 = tpu.memref_squeeze %dma_start3A_276 : memref<1x!tpu.dma_semaphore, #tpu.memory_space<semaphore_mem>> -> memref<!tpu.dma_semaphore, #tpu.memory_space<semaphore_mem>>
        %dma_start3A_278 = arith.constant 0 : i32
        %dma_start3A_279 = tpu.memref_slice %arg4[%mul3A_269, %dma_start3A_278] : memref<4096x256xf32, #tpu.memory_space<hbm>> -> memref<128x256xf32, #tpu.memory_space<hbm>>
        %dma_start3A_280 = arith.constant 0 : i32
        %dma_start3A_281 = arith.constant 0 : i32
        %dma_start3A_282 = tpu.memref_slice %run_scoped3A_8[%rem3A_267, %dma_start3A_280, %dma_start3A_281] : memref<2x128x256xf32, #tpu.memory_space<vmem>> -> memref<1x128x256xf32, #tpu.memory_space<vmem>>
        %dma_start3A_283 = tpu.memref_squeeze %dma_start3A_282 : memref<1x128x256xf32, #tpu.memory_space<vmem>> -> memref<128x256xf32, #tpu.memory_space<vmem>>
        tpu.enqueue_dma source(%dma_start3A_283 : memref<128x256xf32, #tpu.memory_space<vmem>>) target(%dma_start3A_279 : memref<128x256xf32, #tpu.memory_space<hbm>>) target_semaphore(%dma_start3A_277 : memref<!tpu.dma_semaphore, #tpu.memory_space<semaphore_mem>>)
        "tpu.trace_stop"() : () -> ()
      } else {
      }
      %and3A_161 = arith.constant true
      %and3A_162 = arith.andi %or3A_157, %and3A_161 : i1
      %add3A_163 = arith.constant 1 : i32
      %add3A_164 = arith.addi %scan3A_63, %add3A_163 : i32
      %select_n3A_165 = arith.select %and3A_162, %add3A_164, %scan3A_63 : i32
      %ne3A_166 = arith.cmpi ne, %add3A_72, %add3A_82 : i32
      %or3A_167 = arith.constant false
      %or3A_168 = arith.ori %or3A_167, %ne3A_166 : i1
      %not3A_169 = arith.constant true
      %not3A_170 = arith.xori %eq3A_68, %not3A_169 : i1
      %and3A_171 = arith.andi %or3A_168, %not3A_170 : i1
      %convert_element_type3A_172 = arith.extui %and3A_171 : i1 to i32
      %cond3A_173 = arith.constant 0 : i32
      %cond3A_174 = arith.cmpi ne, %convert_element_type3A_172, %cond3A_173 : i32
      scf.if %cond3A_174 {
      } else {
      }
      %and3A_175 = arith.constant false
      %and3A_176 = arith.andi %and3A_171, %and3A_175 : i1
      %ne3A_177 = arith.cmpi ne, %add3A_72, %add3A_82 : i32
      %or3A_178 = arith.constant false
      %or3A_179 = arith.ori %or3A_178, %ne3A_177 : i1
      %or3A_180 = arith.constant false
      %or3A_181 = arith.ori %or3A_179, %or3A_180 : i1
      %not3A_182 = arith.constant true
      %not3A_183 = arith.xori %eq3A_68, %not3A_182 : i1
      %and3A_184 = arith.andi %or3A_181, %not3A_183 : i1
      %convert_element_type3A_185 = arith.extui %and3A_184 : i1 to i32
      %cond3A_186 = arith.constant 0 : i32
      %cond3A_187 = arith.cmpi ne, %convert_element_type3A_185, %cond3A_186 : i32
      scf.if %cond3A_187 {
        "tpu.trace_start"() <{level = 10 : i32, message = "ep_wait_out"}> : () -> ()
        %rem3A_266 = arith.constant 2 : i32
        %rem3A_267 = arith.remui %scan3A_64, %rem3A_266 : i32
        %mul3A_268 = arith.constant 128 : i32
        %mul3A_269 = arith.muli %mul3A_268, %add3A_82 : i32
        %dma_wait3A_270 = arith.constant 0 : i32
        %dma_wait3A_271 = arith.constant 0 : i32
        %dma_wait3A_272 = tpu.memref_slice %run_scoped3A_8[%rem3A_267, %dma_wait3A_270, %dma_wait3A_271] : memref<2x128x256xf32, #tpu.memory_space<vmem>> -> memref<1x128x256xf32, #tpu.memory_space<vmem>>
        %dma_wait3A_273 = tpu.memref_squeeze %dma_wait3A_272 : memref<1x128x256xf32, #tpu.memory_space<vmem>> -> memref<128x256xf32, #tpu.memory_space<vmem>>
        %dma_wait3A_274 = arith.constant 0 : i32
        %dma_wait3A_275 = tpu.memref_slice %arg4[%mul3A_269, %dma_wait3A_274] : memref<4096x256xf32, #tpu.memory_space<hbm>> -> memref<128x256xf32, #tpu.memory_space<hbm>>
        %dma_wait3A_276 = tpu.memref_slice %run_scoped3A_9[%rem3A_267] : memref<2x!tpu.dma_semaphore, #tpu.memory_space<semaphore_mem>> -> memref<1x!tpu.dma_semaphore, #tpu.memory_space<semaphore_mem>>
        %dma_wait3A_277 = tpu.memref_squeeze %dma_wait3A_276 : memref<1x!tpu.dma_semaphore, #tpu.memory_space<semaphore_mem>> -> memref<!tpu.dma_semaphore, #tpu.memory_space<semaphore_mem>>
        %dma_wait3A_278 = arith.constant 0 : i32
        %dma_wait3A_279 = tpu.memref_slice %arg4[%mul3A_269, %dma_wait3A_278] : memref<4096x256xf32, #tpu.memory_space<hbm>> -> memref<128x256xf32, #tpu.memory_space<hbm>>
        %dma_wait3A_280 = arith.constant 0 : i32
        %dma_wait3A_281 = arith.constant 0 : i32
        %dma_wait3A_282 = tpu.memref_slice %run_scoped3A_8[%rem3A_267, %dma_wait3A_280, %dma_wait3A_281] : memref<2x128x256xf32, #tpu.memory_space<vmem>> -> memref<1x128x256xf32, #tpu.memory_space<vmem>>
        %dma_wait3A_283 = tpu.memref_squeeze %dma_wait3A_282 : memref<1x128x256xf32, #tpu.memory_space<vmem>> -> memref<128x256xf32, #tpu.memory_space<vmem>>
        tpu.wait_dma2 semaphore(%dma_wait3A_277 : memref<!tpu.dma_semaphore, #tpu.memory_space<semaphore_mem>>) src(%dma_wait3A_283 : memref<128x256xf32, #tpu.memory_space<vmem>>) dst(%dma_wait3A_279 : memref<128x256xf32, #tpu.memory_space<hbm>>)
        "tpu.trace_stop"() : () -> ()
      } else {
      }
      %and3A_188 = arith.constant true
      %and3A_189 = arith.andi %and3A_184, %and3A_188 : i1
      %add3A_190 = arith.constant 1 : i32
      %add3A_191 = arith.addi %scan3A_64, %add3A_190 : i32
      %select_n3A_192 = arith.select %and3A_189, %add3A_191, %scan3A_64 : i32
      %ne3A_193 = arith.cmpi ne, %add3A_72, %add3A_92 : i32
      %or3A_194 = arith.constant false
      %or3A_195 = arith.ori %or3A_194, %ne3A_193 : i1
      %or3A_196 = arith.ori %or3A_195, %eq3A_70 : i1
      %add3A_197 = arith.constant 1 : i32
      %add3A_198 = arith.addi %scan3A, %add3A_197 : i32
      %select_n3A_199 = arith.select %or3A_196, %add3A_198, %scan3A : i32
      %select_n3A_200 = arith.constant true
      %select_n3A_201 = arith.constant 0 : i32
      %select_n3A_202 = arith.constant 1 : i32
      %select_n3A_203 = arith.select %select_n3A_200, %select_n3A_202, %select_n3A_201 : i32
      %eq3A_204 = arith.constant 1 : i32
      %eq3A_205 = arith.cmpi eq, %select_n3A_203, %eq3A_204 : i32
      %select_n3A_206 = arith.constant 0 : i32
      %select_n3A_207 = arith.select %eq3A_205, %select_n3A_206, %select_n3A_203 : i32
      %scan3A_208 = arith.constant 0 : i32
      %scan3A_209 = arith.constant 1 : i32
      %sub3A = arith.constant 1 : i32
      %sub3A_210 = arith.subi %scan3A_208, %sub3A : i32
      %select_n3A_211 = arith.constant true
      %select_n3A_212 = arith.select %select_n3A_211, %sub3A_210, %scan3A_208 : i32
      %eq3A_213 = arith.constant -1 : i32
      %eq3A_214 = arith.cmpi eq, %select_n3A_212, %eq3A_213 : i32
      %select_n3A_215 = arith.constant 0 : i32
      %select_n3A_216 = arith.select %eq3A_214, %select_n3A_215, %select_n3A_212 : i32
      %add3A_217 = arith.constant 0 : i32
      %add3A_218 = arith.addi %add3A_217, %mul3A_6 : i32
      %select_n3A_219 = arith.constant true
      %select_n3A_220 = arith.constant 0 : i32
      %select_n3A_221 = arith.constant -1 : i32
      %select_n3A_222 = arith.select %select_n3A_219, %select_n3A_221, %select_n3A_220 : i32
      %eq3A_223 = arith.constant -1 : i32
      %eq3A_224 = arith.cmpi eq, %select_n3A_222, %eq3A_223 : i32
      %select_n3A_225 = arith.constant 0 : i32
      %select_n3A_226 = arith.select %eq3A_224, %select_n3A_225, %select_n3A_222 : i32
      %add3A_227 = arith.constant 0 : i32
      %add3A_228 = arith.addi %add3A_227, %mul3A_6 : i32
      %select_n3A_229 = arith.constant true
      %select_n3A_230 = arith.constant 0 : i32
      %select_n3A_231 = arith.constant 1 : i32
      %select_n3A_232 = arith.select %select_n3A_229, %select_n3A_231, %select_n3A_230 : i32
      %eq3A_233 = arith.constant 1 : i32
      %eq3A_234 = arith.cmpi eq, %select_n3A_232, %eq3A_233 : i32
      %select_n3A_235 = arith.constant 0 : i32
      %select_n3A_236 = arith.select %eq3A_234, %select_n3A_235, %select_n3A_232 : i32
      %add3A_237 = arith.constant 0 : i32
      %add3A_238 = arith.addi %add3A_237, %mul3A_6 : i32
      %select_n3A_239 = arith.constant true
      %select_n3A_240 = arith.constant 0 : i32
      %select_n3A_241 = arith.constant 1 : i32
      %select_n3A_242 = arith.select %select_n3A_239, %select_n3A_241, %select_n3A_240 : i32
      %eq3A_243 = arith.constant 1 : i32
      %eq3A_244 = arith.cmpi eq, %select_n3A_242, %eq3A_243 : i32
      %select_n3A_245 = arith.constant 0 : i32
      %select_n3A_246 = arith.select %eq3A_244, %select_n3A_245, %select_n3A_242 : i32
      %add3A_247 = arith.constant 0 : i32
      %add3A_248 = arith.addi %add3A_247, %mul3A_6 : i32
      "tpu.trace_start"() <{level = 10 : i32, message = "ep_finalize"}> : () -> ()
      %rem3A_249 = arith.constant 2 : i32
      %rem3A_250 = arith.remui %select_n3A_192, %rem3A_249 : i32
      %mul3A_251 = arith.constant 128 : i32
      %mul3A_252 = arith.muli %mul3A_251, %add3A_218 : i32
      %dma_wait3A = arith.constant 0 : i32
      %dma_wait3A_253 = arith.constant 0 : i32
      %dma_wait3A_254 = tpu.memref_slice %run_scoped3A_8[%rem3A_250, %dma_wait3A, %dma_wait3A_253] : memref<2x128x256xf32, #tpu.memory_space<vmem>> -> memref<1x128x256xf32, #tpu.memory_space<vmem>>
      %dma_wait3A_255 = tpu.memref_squeeze %dma_wait3A_254 : memref<1x128x256xf32, #tpu.memory_space<vmem>> -> memref<128x256xf32, #tpu.memory_space<vmem>>
      %dma_wait3A_256 = arith.constant 0 : i32
      %dma_wait3A_257 = tpu.memref_slice %arg4[%mul3A_252, %dma_wait3A_256] : memref<4096x256xf32, #tpu.memory_space<hbm>> -> memref<128x256xf32, #tpu.memory_space<hbm>>
      %dma_wait3A_258 = tpu.memref_slice %run_scoped3A_9[%rem3A_250] : memref<2x!tpu.dma_semaphore, #tpu.memory_space<semaphore_mem>> -> memref<1x!tpu.dma_semaphore, #tpu.memory_space<semaphore_mem>>
      %dma_wait3A_259 = tpu.memref_squeeze %dma_wait3A_258 : memref<1x!tpu.dma_semaphore, #tpu.memory_space<semaphore_mem>> -> memref<!tpu.dma_semaphore, #tpu.memory_space<semaphore_mem>>
      %dma_wait3A_260 = arith.constant 0 : i32
      %dma_wait3A_261 = tpu.memref_slice %arg4[%mul3A_252, %dma_wait3A_260] : memref<4096x256xf32, #tpu.memory_space<hbm>> -> memref<128x256xf32, #tpu.memory_space<hbm>>
      %dma_wait3A_262 = arith.constant 0 : i32
      %dma_wait3A_263 = arith.constant 0 : i32
      %dma_wait3A_264 = tpu.memref_slice %run_scoped3A_8[%rem3A_250, %dma_wait3A_262, %dma_wait3A_263] : memref<2x128x256xf32, #tpu.memory_space<vmem>> -> memref<1x128x256xf32, #tpu.memory_space<vmem>>
      %dma_wait3A_265 = tpu.memref_squeeze %dma_wait3A_264 : memref<1x128x256xf32, #tpu.memory_space<vmem>> -> memref<128x256xf32, #tpu.memory_space<vmem>>
      tpu.wait_dma2 semaphore(%dma_wait3A_259 : memref<!tpu.dma_semaphore, #tpu.memory_space<semaphore_mem>>) src(%dma_wait3A_265 : memref<128x256xf32, #tpu.memory_space<vmem>>) dst(%dma_wait3A_261 : memref<128x256xf32, #tpu.memory_space<hbm>>)
      "tpu.trace_stop"() : () -> ()
      tpu.yield
    }) : () -> ()
    return
  }
}

#map = affine_map<(d0, d1) -> (0, 0)>
module attributes {stable_mosaic.version = 14 : i64} {
  func.func @k(%arg0: i32, %arg1: i32, %arg2: memref<4096x384xf32, #tpu.memory_space<hbm>>, %arg3: memref<1x4096xi32, #tpu.memory_space<hbm>>, %arg4: memref<6144x384xf32, #tpu.memory_space<hbm>>) attributes {dimension_semantics = [#tpu.dimension_semantics<core_parallel>, #tpu.dimension_semantics<subcore_parallel>], iteration_bounds = array<i64: 2, 16>, scalar_prefetch = 0 : i64, scratch_operands = 0 : i64, tpu.core_type = #tpu.core_type<sc_vector_subcore>, window_params = [{transform_indices = #map}, {transform_indices = #map}, {transform_indices = #map}]} {
    %mul3A = arith.constant 1 : i32
    %mul3A_0 = arith.muli %arg1, %mul3A : i32
    %add3A = arith.constant 0 : i32
    %add3A_1 = arith.addi %add3A, %mul3A_0 : i32
    %mul3A_2 = arith.constant 16 : i32
    %mul3A_3 = arith.muli %arg0, %mul3A_2 : i32
    %add3A_4 = arith.addi %add3A_1, %mul3A_3 : i32
    %mul3A_5 = arith.constant 1 : i32
    %mul3A_6 = arith.muli %add3A_4, %mul3A_5 : i32
    "tpu.region"() ({
      %run_scoped3A = memref.alloca() : memref<2x128x384xf32, #tpu.memory_space<vmem>>
      %run_scoped3A_7 = tpu.sem_alloc : memref<2x!tpu.dma_semaphore, #tpu.memory_space<semaphore_mem>>
      %run_scoped3A_8 = memref.alloca() : memref<2x1x128xi32, #tpu.memory_space<vmem>>
      %run_scoped3A_9 = tpu.sem_alloc : memref<2x!tpu.dma_semaphore, #tpu.memory_space<semaphore_mem>>
      %add3A_10 = arith.constant 0 : i32
      %add3A_11 = arith.addi %add3A_10, %mul3A_6 : i32
      %select_n3A = arith.constant true
      %select_n3A_12 = arith.constant 0 : i32
      %select_n3A_13 = arith.constant -1 : i32
      %select_n3A_14 = arith.select %select_n3A, %select_n3A_13, %select_n3A_12 : i32
      %eq3A = arith.constant -1 : i32
      %eq3A_15 = arith.cmpi eq, %select_n3A_14, %eq3A : i32
      %select_n3A_16 = arith.constant 0 : i32
      %select_n3A_17 = arith.select %eq3A_15, %select_n3A_16, %select_n3A_14 : i32
      %add3A_18 = arith.constant 0 : i32
      %add3A_19 = arith.addi %add3A_18, %mul3A_6 : i32
      %select_n3A_20 = arith.constant true
      %select_n3A_21 = arith.constant 0 : i32
      %select_n3A_22 = arith.constant 1 : i32
      %select_n3A_23 = arith.select %select_n3A_20, %select_n3A_22, %select_n3A_21 : i32
      %eq3A_24 = arith.constant 1 : i32
      %eq3A_25 = arith.cmpi eq, %select_n3A_23, %eq3A_24 : i32
      %select_n3A_26 = arith.constant 0 : i32
      %select_n3A_27 = arith.select %eq3A_25, %select_n3A_26, %select_n3A_23 : i32
      %add3A_28 = arith.constant 0 : i32
      %add3A_29 = arith.addi %add3A_28, %mul3A_6 : i32
      %select_n3A_30 = arith.constant true
      %select_n3A_31 = arith.constant 0 : i32
      %select_n3A_32 = arith.constant 1 : i32
      %select_n3A_33 = arith.select %select_n3A_30, %select_n3A_32, %select_n3A_31 : i32
      %eq3A_34 = arith.constant 1 : i32
      %eq3A_35 = arith.cmpi eq, %select_n3A_33, %eq3A_34 : i32
      %select_n3A_36 = arith.constant 0 : i32
      %select_n3A_37 = arith.select %eq3A_35, %select_n3A_36, %select_n3A_33 : i32
      %add3A_38 = arith.constant 0 : i32
      %add3A_39 = arith.addi %add3A_38, %mul3A_6 : i32
      "tpu.trace_start"() <{level = 10 : i32, message = "ep_initialize_0"}> : () -> ()
      %rem3A = arith.constant 0 : i32
      %rem3A_40 = arith.constant 2 : i32
      %rem3A_41 = arith.remui %rem3A, %rem3A_40 : i32
      %mul3A_42 = arith.constant 128 : i32
      %mul3A_43 = arith.muli %mul3A_42, %add3A_11 : i32
      %dma_start3A = arith.constant 0 : i32
      %dma_start3A_44 = arith.constant 0 : i32
      %dma_start3A_45 = tpu.memref_slice %run_scoped3A[%rem3A_41, %dma_start3A, %dma_start3A_44] : memref<2x128x384xf32, #tpu.memory_space<vmem>> -> memref<1x128x384xf32, #tpu.memory_space<vmem>>
      %dma_start3A_46 = tpu.memref_squeeze %dma_start3A_45 : memref<1x128x384xf32, #tpu.memory_space<vmem>> -> memref<128x384xf32, #tpu.memory_space<vmem>>
      %dma_start3A_47 = arith.constant 0 : i32
      %dma_start3A_48 = tpu.memref_slice %arg2[%mul3A_43, %dma_start3A_47] : memref<4096x384xf32, #tpu.memory_space<hbm>> -> memref<128x384xf32, #tpu.memory_space<hbm>>
      %dma_start3A_49 = tpu.memref_slice %run_scoped3A_7[%rem3A_41] : memref<2x!tpu.dma_semaphore, #tpu.memory_space<semaphore_mem>> -> memref<1x!tpu.dma_semaphore, #tpu.memory_space<semaphore_mem>>
      %dma_start3A_50 = tpu.memref_squeeze %dma_start3A_49 : memref<1x!tpu.dma_semaphore, #tpu.memory_space<semaphore_mem>> -> memref<!tpu.dma_semaphore, #tpu.memory_space<semaphore_mem>>
      %dma_start3A_51 = arith.constant 0 : i32
      %dma_start3A_52 = arith.constant 0 : i32
      %dma_start3A_53 = tpu.memref_slice %run_scoped3A[%rem3A_41, %dma_start3A_51, %dma_start3A_52] : memref<2x128x384xf32, #tpu.memory_space<vmem>> -> memref<1x128x384xf32, #tpu.memory_space<vmem>>
      %dma_start3A_54 = tpu.memref_squeeze %dma_start3A_53 : memref<1x128x384xf32, #tpu.memory_space<vmem>> -> memref<128x384xf32, #tpu.memory_space<vmem>>
      %dma_start3A_55 = arith.constant 0 : i32
      %dma_start3A_56 = tpu.memref_slice %arg2[%mul3A_43, %dma_start3A_55] : memref<4096x384xf32, #tpu.memory_space<hbm>> -> memref<128x384xf32, #tpu.memory_space<hbm>>
      tpu.enqueue_dma source(%dma_start3A_56 : memref<128x384xf32, #tpu.memory_space<hbm>>) target(%dma_start3A_54 : memref<128x384xf32, #tpu.memory_space<vmem>>) target_semaphore(%dma_start3A_50 : memref<!tpu.dma_semaphore, #tpu.memory_space<semaphore_mem>>)
      %add3A_57 = arith.constant 0 : i32
      %add3A_58 = arith.constant 1 : i32
      %add3A_59 = arith.addi %add3A_57, %add3A_58 : i32
      %select_n3A_60 = arith.constant true
      %select_n3A_61 = arith.constant 0 : i32
      %select_n3A_62 = arith.select %select_n3A_60, %add3A_59, %select_n3A_61 : i32
      %rem3A_63 = arith.constant 0 : i32
      %rem3A_64 = arith.constant 2 : i32
      %rem3A_65 = arith.remui %rem3A_63, %rem3A_64 : i32
      %mul3A_66 = arith.constant 128 : i32
      %mul3A_67 = arith.muli %mul3A_66, %add3A_11 : i32
      %dma_start3A_68 = arith.constant 0 : i32
      %dma_start3A_69 = arith.constant 0 : i32
      %dma_start3A_70 = tpu.memref_slice %run_scoped3A_8[%rem3A_65, %dma_start3A_68, %dma_start3A_69] : memref<2x1x128xi32, #tpu.memory_space<vmem>> -> memref<1x1x128xi32, #tpu.memory_space<vmem>>
      %dma_start3A_71 = tpu.memref_squeeze %dma_start3A_70 : memref<1x1x128xi32, #tpu.memory_space<vmem>> -> memref<1x128xi32, #tpu.memory_space<vmem>>
      %dma_start3A_72 = arith.constant 0 : i32
      %dma_start3A_73 = tpu.memref_slice %arg3[%dma_start3A_72, %mul3A_67] : memref<1x4096xi32, #tpu.memory_space<hbm>> -> memref<1x128xi32, #tpu.memory_space<hbm>>
      %dma_start3A_74 = tpu.memref_slice %run_scoped3A_9[%rem3A_65] : memref<2x!tpu.dma_semaphore, #tpu.memory_space<semaphore_mem>> -> memref<1x!tpu.dma_semaphore, #tpu.memory_space<semaphore_mem>>
      %dma_start3A_75 = tpu.memref_squeeze %dma_start3A_74 : memref<1x!tpu.dma_semaphore, #tpu.memory_space<semaphore_mem>> -> memref<!tpu.dma_semaphore, #tpu.memory_space<semaphore_mem>>
      %dma_start3A_76 = arith.constant 0 : i32
      %dma_start3A_77 = arith.constant 0 : i32
      %dma_start3A_78 = tpu.memref_slice %run_scoped3A_8[%rem3A_65, %dma_start3A_76, %dma_start3A_77] : memref<2x1x128xi32, #tpu.memory_space<vmem>> -> memref<1x1x128xi32, #tpu.memory_space<vmem>>
      %dma_start3A_79 = tpu.memref_squeeze %dma_start3A_78 : memref<1x1x128xi32, #tpu.memory_space<vmem>> -> memref<1x128xi32, #tpu.memory_space<vmem>>
      %dma_start3A_80 = arith.constant 0 : i32
      %dma_start3A_81 = tpu.memref_slice %arg3[%dma_start3A_80, %mul3A_67] : memref<1x4096xi32, #tpu.memory_space<hbm>> -> memref<1x128xi32, #tpu.memory_space<hbm>>
      tpu.enqueue_dma source(%dma_start3A_81 : memref<1x128xi32, #tpu.memory_space<hbm>>) target(%dma_start3A_79 : memref<1x128xi32, #tpu.memory_space<vmem>>) target_semaphore(%dma_start3A_75 : memref<!tpu.dma_semaphore, #tpu.memory_space<semaphore_mem>>)
      %add3A_82 = arith.constant 0 : i32
      %add3A_83 = arith.constant 1 : i32
      %add3A_84 = arith.addi %add3A_82, %add3A_83 : i32
      %select_n3A_85 = arith.constant true
      %select_n3A_86 = arith.constant 0 : i32
      %select_n3A_87 = arith.select %select_n3A_85, %add3A_84, %select_n3A_86 : i32
      "tpu.trace_stop"() : () -> ()
      %scan3A = arith.constant 0 : i32
      %scan3A_88 = arith.constant 0 : i32
      %scan3A_89 = arith.constant 0 : i32
      %scan3A_90 = arith.constant 0 : i32
      %eq3A_91 = arith.constant 0 : i32
      %eq3A_92 = arith.cmpi eq, %scan3A_90, %eq3A_91 : i32
      %eq3A_93 = arith.constant 0 : i32
      %eq3A_94 = arith.cmpi eq, %scan3A_90, %eq3A_93 : i32
      %add3A_95 = arith.constant 0 : i32
      %add3A_96 = arith.addi %add3A_95, %mul3A_6 : i32
      %select_n3A_97 = arith.constant true
      %select_n3A_98 = arith.constant 0 : i32
      %select_n3A_99 = arith.constant -1 : i32
      %select_n3A_100 = arith.select %select_n3A_97, %select_n3A_99, %select_n3A_98 : i32
      %eq3A_101 = arith.constant -1 : i32
      %eq3A_102 = arith.cmpi eq, %select_n3A_100, %eq3A_101 : i32
      %select_n3A_103 = arith.constant 0 : i32
      %select_n3A_104 = arith.select %eq3A_102, %select_n3A_103, %select_n3A_100 : i32
      %add3A_105 = arith.constant 0 : i32
      %add3A_106 = arith.addi %add3A_105, %mul3A_6 : i32
      %select_n3A_107 = arith.constant true
      %select_n3A_108 = arith.constant 0 : i32
      %select_n3A_109 = arith.constant 1 : i32
      %select_n3A_110 = arith.select %select_n3A_107, %select_n3A_109, %select_n3A_108 : i32
      %eq3A_111 = arith.constant 1 : i32
      %eq3A_112 = arith.cmpi eq, %select_n3A_110, %eq3A_111 : i32
      %select_n3A_113 = arith.constant 0 : i32
      %select_n3A_114 = arith.select %eq3A_112, %select_n3A_113, %select_n3A_110 : i32
      %add3A_115 = arith.constant 0 : i32
      %add3A_116 = arith.addi %add3A_115, %mul3A_6 : i32
      %select_n3A_117 = arith.constant true
      %select_n3A_118 = arith.constant 0 : i32
      %select_n3A_119 = arith.constant 1 : i32
      %select_n3A_120 = arith.select %select_n3A_117, %select_n3A_119, %select_n3A_118 : i32
      %eq3A_121 = arith.constant 1 : i32
      %eq3A_122 = arith.cmpi eq, %select_n3A_120, %eq3A_121 : i32
      %select_n3A_123 = arith.constant 0 : i32
      %select_n3A_124 = arith.select %eq3A_122, %select_n3A_123, %select_n3A_120 : i32
      %add3A_125 = arith.constant 0 : i32
      %add3A_126 = arith.addi %add3A_125, %mul3A_6 : i32
      %ne3A = arith.cmpi ne, %add3A_96, %add3A_116 : i32
      %or3A = arith.constant false
      %or3A_127 = arith.ori %or3A, %ne3A : i1
      %or3A_128 = arith.constant false
      %or3A_129 = arith.ori %or3A_127, %or3A_128 : i1
      %ge3A = arith.constant 0 : i32
      %ge3A_130 = arith.cmpi sge, %scan3A_90, %ge3A : i32
      %not3A = arith.constant true
      %not3A_131 = arith.xori %ge3A_130, %not3A : i1
      %and3A = arith.andi %or3A_129, %not3A_131 : i1
      %convert_element_type3A = arith.extui %and3A : i1 to i32
      %cond3A = arith.constant 0 : i32
      %cond3A_132 = arith.cmpi ne, %convert_element_type3A, %cond3A : i32
      scf.if %cond3A_132 {
        "tpu.trace_start"() <{level = 10 : i32, message = "ep_copy_in"}> : () -> ()
        %rem3A_284 = arith.constant 2 : i32
        %rem3A_285 = arith.remui %select_n3A_62, %rem3A_284 : i32
        %mul3A_286 = arith.constant 128 : i32
        %mul3A_287 = arith.muli %mul3A_286, %add3A_116 : i32
        %dma_start3A_288 = arith.constant 0 : i32
        %dma_start3A_289 = arith.constant 0 : i32
        %dma_start3A_290 = tpu.memref_slice %run_scoped3A[%rem3A_285, %dma_start3A_288, %dma_start3A_289] : memref<2x128x384xf32, #tpu.memory_space<vmem>> -> memref<1x128x384xf32, #tpu.memory_space<vmem>>
        %dma_start3A_291 = tpu.memref_squeeze %dma_start3A_290 : memref<1x128x384xf32, #tpu.memory_space<vmem>> -> memref<128x384xf32, #tpu.memory_space<vmem>>
        %dma_start3A_292 = arith.constant 0 : i32
        %dma_start3A_293 = tpu.memref_slice %arg2[%mul3A_287, %dma_start3A_292] : memref<4096x384xf32, #tpu.memory_space<hbm>> -> memref<128x384xf32, #tpu.memory_space<hbm>>
        %dma_start3A_294 = tpu.memref_slice %run_scoped3A_7[%rem3A_285] : memref<2x!tpu.dma_semaphore, #tpu.memory_space<semaphore_mem>> -> memref<1x!tpu.dma_semaphore, #tpu.memory_space<semaphore_mem>>
        %dma_start3A_295 = tpu.memref_squeeze %dma_start3A_294 : memref<1x!tpu.dma_semaphore, #tpu.memory_space<semaphore_mem>> -> memref<!tpu.dma_semaphore, #tpu.memory_space<semaphore_mem>>
        %dma_start3A_296 = arith.constant 0 : i32
        %dma_start3A_297 = arith.constant 0 : i32
        %dma_start3A_298 = tpu.memref_slice %run_scoped3A[%rem3A_285, %dma_start3A_296, %dma_start3A_297] : memref<2x128x384xf32, #tpu.memory_space<vmem>> -> memref<1x128x384xf32, #tpu.memory_space<vmem>>
        %dma_start3A_299 = tpu.memref_squeeze %dma_start3A_298 : memref<1x128x384xf32, #tpu.memory_space<vmem>> -> memref<128x384xf32, #tpu.memory_space<vmem>>
        %dma_start3A_300 = arith.constant 0 : i32
        %dma_start3A_301 = tpu.memref_slice %arg2[%mul3A_287, %dma_start3A_300] : memref<4096x384xf32, #tpu.memory_space<hbm>> -> memref<128x384xf32, #tpu.memory_space<hbm>>
        tpu.enqueue_dma source(%dma_start3A_301 : memref<128x384xf32, #tpu.memory_space<hbm>>) target(%dma_start3A_299 : memref<128x384xf32, #tpu.memory_space<vmem>>) target_semaphore(%dma_start3A_295 : memref<!tpu.dma_semaphore, #tpu.memory_space<semaphore_mem>>)
        "tpu.trace_stop"() : () -> ()
      } else {
      }
      %and3A_133 = arith.constant true
      %and3A_134 = arith.andi %and3A, %and3A_133 : i1
      %add3A_135 = arith.constant 1 : i32
      %add3A_136 = arith.addi %select_n3A_62, %add3A_135 : i32
      %select_n3A_137 = arith.select %and3A_134, %add3A_136, %select_n3A_62 : i32
      %ne3A_138 = arith.cmpi ne, %add3A_96, %add3A_116 : i32
      %or3A_139 = arith.constant false
      %or3A_140 = arith.ori %or3A_139, %ne3A_138 : i1
      %ge3A_141 = arith.constant 0 : i32
      %ge3A_142 = arith.cmpi sge, %scan3A_90, %ge3A_141 : i32
      %not3A_143 = arith.constant true
      %not3A_144 = arith.xori %ge3A_142, %not3A_143 : i1
      %and3A_145 = arith.andi %or3A_140, %not3A_144 : i1
      %convert_element_type3A_146 = arith.extui %and3A_145 : i1 to i32
      %cond3A_147 = arith.constant 0 : i32
      %cond3A_148 = arith.cmpi ne, %convert_element_type3A_146, %cond3A_147 : i32
      scf.if %cond3A_148 {
        "tpu.trace_start"() <{level = 10 : i32, message = "ep_copy_in"}> : () -> ()
        %rem3A_284 = arith.constant 2 : i32
        %rem3A_285 = arith.remui %select_n3A_87, %rem3A_284 : i32
        %mul3A_286 = arith.constant 128 : i32
        %mul3A_287 = arith.muli %mul3A_286, %add3A_116 : i32
        %dma_start3A_288 = arith.constant 0 : i32
        %dma_start3A_289 = arith.constant 0 : i32
        %dma_start3A_290 = tpu.memref_slice %run_scoped3A_8[%rem3A_285, %dma_start3A_288, %dma_start3A_289] : memref<2x1x128xi32, #tpu.memory_space<vmem>> -> memref<1x1x128xi32, #tpu.memory_space<vmem>>
        %dma_start3A_291 = tpu.memref_squeeze %dma_start3A_290 : memref<1x1x128xi32, #tpu.memory_space<vmem>> -> memref<1x128xi32, #tpu.memory_space<vmem>>
        %dma_start3A_292 = arith.constant 0 : i32
        %dma_start3A_293 = tpu.memref_slice %arg3[%dma_start3A_292, %mul3A_287] : memref<1x4096xi32, #tpu.memory_space<hbm>> -> memref<1x128xi32, #tpu.memory_space<hbm>>
        %dma_start3A_294 = tpu.memref_slice %run_scoped3A_9[%rem3A_285] : memref<2x!tpu.dma_semaphore, #tpu.memory_space<semaphore_mem>> -> memref<1x!tpu.dma_semaphore, #tpu.memory_space<semaphore_mem>>
        %dma_start3A_295 = tpu.memref_squeeze %dma_start3A_294 : memref<1x!tpu.dma_semaphore, #tpu.memory_space<semaphore_mem>> -> memref<!tpu.dma_semaphore, #tpu.memory_space<semaphore_mem>>
        %dma_start3A_296 = arith.constant 0 : i32
        %dma_start3A_297 = arith.constant 0 : i32
        %dma_start3A_298 = tpu.memref_slice %run_scoped3A_8[%rem3A_285, %dma_start3A_296, %dma_start3A_297] : memref<2x1x128xi32, #tpu.memory_space<vmem>> -> memref<1x1x128xi32, #tpu.memory_space<vmem>>
        %dma_start3A_299 = tpu.memref_squeeze %dma_start3A_298 : memref<1x1x128xi32, #tpu.memory_space<vmem>> -> memref<1x128xi32, #tpu.memory_space<vmem>>
        %dma_start3A_300 = arith.constant 0 : i32
        %dma_start3A_301 = tpu.memref_slice %arg3[%dma_start3A_300, %mul3A_287] : memref<1x4096xi32, #tpu.memory_space<hbm>> -> memref<1x128xi32, #tpu.memory_space<hbm>>
        tpu.enqueue_dma source(%dma_start3A_301 : memref<1x128xi32, #tpu.memory_space<hbm>>) target(%dma_start3A_299 : memref<1x128xi32, #tpu.memory_space<vmem>>) target_semaphore(%dma_start3A_295 : memref<!tpu.dma_semaphore, #tpu.memory_space<semaphore_mem>>)
        "tpu.trace_stop"() : () -> ()
      } else {
      }
      %and3A_149 = arith.constant true
      %and3A_150 = arith.andi %and3A_145, %and3A_149 : i1
      %add3A_151 = arith.constant 1 : i32
      %add3A_152 = arith.addi %select_n3A_87, %add3A_151 : i32
      %select_n3A_153 = arith.select %and3A_150, %add3A_152, %select_n3A_87 : i32
      %ne3A_154 = arith.cmpi ne, %add3A_96, %add3A_106 : i32
      %or3A_155 = arith.constant false
      %or3A_156 = arith.ori %or3A_155, %ne3A_154 : i1
      %or3A_157 = arith.constant false
      %or3A_158 = arith.ori %or3A_156, %or3A_157 : i1
      %or3A_159 = arith.ori %or3A_158, %eq3A_92 : i1
      %convert_element_type3A_160 = arith.extui %or3A_159 : i1 to i32
      %cond3A_161 = arith.constant 0 : i32
      %cond3A_162 = arith.cmpi ne, %convert_element_type3A_160, %cond3A_161 : i32
      scf.if %cond3A_162 {
        "tpu.trace_start"() <{level = 10 : i32, message = "ep_wait_in"}> : () -> ()
        %mul3A_284 = arith.constant 128 : i32
        %mul3A_285 = arith.muli %mul3A_284, %add3A_96 : i32
        %rem3A_286 = arith.constant 2 : i32
        %rem3A_287 = arith.remui %scan3A, %rem3A_286 : i32
        %dma_wait3A = arith.constant 0 : i32
        %dma_wait3A_288 = arith.constant 0 : i32
        %dma_wait3A_289 = tpu.memref_slice %run_scoped3A[%rem3A_287, %dma_wait3A, %dma_wait3A_288] : memref<2x128x384xf32, #tpu.memory_space<vmem>> -> memref<1x128x384xf32, #tpu.memory_space<vmem>>
        %dma_wait3A_290 = tpu.memref_squeeze %dma_wait3A_289 : memref<1x128x384xf32, #tpu.memory_space<vmem>> -> memref<128x384xf32, #tpu.memory_space<vmem>>
        %dma_wait3A_291 = arith.constant 0 : i32
        %dma_wait3A_292 = tpu.memref_slice %arg2[%mul3A_285, %dma_wait3A_291] : memref<4096x384xf32, #tpu.memory_space<hbm>> -> memref<128x384xf32, #tpu.memory_space<hbm>>
        %dma_wait3A_293 = tpu.memref_slice %run_scoped3A_7[%rem3A_287] : memref<2x!tpu.dma_semaphore, #tpu.memory_space<semaphore_mem>> -> memref<1x!tpu.dma_semaphore, #tpu.memory_space<semaphore_mem>>
        %dma_wait3A_294 = tpu.memref_squeeze %dma_wait3A_293 : memref<1x!tpu.dma_semaphore, #tpu.memory_space<semaphore_mem>> -> memref<!tpu.dma_semaphore, #tpu.memory_space<semaphore_mem>>
        %dma_wait3A_295 = arith.constant 0 : i32
        %dma_wait3A_296 = arith.constant 0 : i32
        %dma_wait3A_297 = tpu.memref_slice %run_scoped3A[%rem3A_287, %dma_wait3A_295, %dma_wait3A_296] : memref<2x128x384xf32, #tpu.memory_space<vmem>> -> memref<1x128x384xf32, #tpu.memory_space<vmem>>
        %dma_wait3A_298 = tpu.memref_squeeze %dma_wait3A_297 : memref<1x128x384xf32, #tpu.memory_space<vmem>> -> memref<128x384xf32, #tpu.memory_space<vmem>>
        %dma_wait3A_299 = arith.constant 0 : i32
        %dma_wait3A_300 = tpu.memref_slice %arg2[%mul3A_285, %dma_wait3A_299] : memref<4096x384xf32, #tpu.memory_space<hbm>> -> memref<128x384xf32, #tpu.memory_space<hbm>>
        tpu.wait_dma2 semaphore(%dma_wait3A_294 : memref<!tpu.dma_semaphore, #tpu.memory_space<semaphore_mem>>) src(%dma_wait3A_300 : memref<128x384xf32, #tpu.memory_space<hbm>>) dst(%dma_wait3A_298 : memref<128x384xf32, #tpu.memory_space<vmem>>)
        "tpu.trace_stop"() : () -> ()
      } else {
      }
      %ne3A_163 = arith.cmpi ne, %add3A_96, %add3A_106 : i32
      %or3A_164 = arith.constant false
      %or3A_165 = arith.ori %or3A_164, %ne3A_163 : i1
      %or3A_166 = arith.ori %or3A_165, %eq3A_92 : i1
      %convert_element_type3A_167 = arith.extui %or3A_166 : i1 to i32
      %cond3A_168 = arith.constant 0 : i32
      %cond3A_169 = arith.cmpi ne, %convert_element_type3A_167, %cond3A_168 : i32
      scf.if %cond3A_169 {
        "tpu.trace_start"() <{level = 10 : i32, message = "ep_wait_in"}> : () -> ()
        %mul3A_284 = arith.constant 128 : i32
        %mul3A_285 = arith.muli %mul3A_284, %add3A_96 : i32
        %rem3A_286 = arith.constant 2 : i32
        %rem3A_287 = arith.remui %scan3A_88, %rem3A_286 : i32
        %dma_wait3A = arith.constant 0 : i32
        %dma_wait3A_288 = arith.constant 0 : i32
        %dma_wait3A_289 = tpu.memref_slice %run_scoped3A_8[%rem3A_287, %dma_wait3A, %dma_wait3A_288] : memref<2x1x128xi32, #tpu.memory_space<vmem>> -> memref<1x1x128xi32, #tpu.memory_space<vmem>>
        %dma_wait3A_290 = tpu.memref_squeeze %dma_wait3A_289 : memref<1x1x128xi32, #tpu.memory_space<vmem>> -> memref<1x128xi32, #tpu.memory_space<vmem>>
        %dma_wait3A_291 = arith.constant 0 : i32
        %dma_wait3A_292 = tpu.memref_slice %arg3[%dma_wait3A_291, %mul3A_285] : memref<1x4096xi32, #tpu.memory_space<hbm>> -> memref<1x128xi32, #tpu.memory_space<hbm>>
        %dma_wait3A_293 = tpu.memref_slice %run_scoped3A_9[%rem3A_287] : memref<2x!tpu.dma_semaphore, #tpu.memory_space<semaphore_mem>> -> memref<1x!tpu.dma_semaphore, #tpu.memory_space<semaphore_mem>>
        %dma_wait3A_294 = tpu.memref_squeeze %dma_wait3A_293 : memref<1x!tpu.dma_semaphore, #tpu.memory_space<semaphore_mem>> -> memref<!tpu.dma_semaphore, #tpu.memory_space<semaphore_mem>>
        %dma_wait3A_295 = arith.constant 0 : i32
        %dma_wait3A_296 = arith.constant 0 : i32
        %dma_wait3A_297 = tpu.memref_slice %run_scoped3A_8[%rem3A_287, %dma_wait3A_295, %dma_wait3A_296] : memref<2x1x128xi32, #tpu.memory_space<vmem>> -> memref<1x1x128xi32, #tpu.memory_space<vmem>>
        %dma_wait3A_298 = tpu.memref_squeeze %dma_wait3A_297 : memref<1x1x128xi32, #tpu.memory_space<vmem>> -> memref<1x128xi32, #tpu.memory_space<vmem>>
        %dma_wait3A_299 = arith.constant 0 : i32
        %dma_wait3A_300 = tpu.memref_slice %arg3[%dma_wait3A_299, %mul3A_285] : memref<1x4096xi32, #tpu.memory_space<hbm>> -> memref<1x128xi32, #tpu.memory_space<hbm>>
        tpu.wait_dma2 semaphore(%dma_wait3A_294 : memref<!tpu.dma_semaphore, #tpu.memory_space<semaphore_mem>>) src(%dma_wait3A_300 : memref<1x128xi32, #tpu.memory_space<hbm>>) dst(%dma_wait3A_298 : memref<1x128xi32, #tpu.memory_space<vmem>>)
        "tpu.trace_stop"() : () -> ()
      } else {
      }
      %rem3A_170 = arith.constant 2 : i32
      %rem3A_171 = arith.remui %scan3A, %rem3A_170 : i32
      %rem3A_172 = arith.constant 2 : i32
      %rem3A_173 = arith.remui %scan3A_88, %rem3A_172 : i32
      %run_scoped3A_174 = arith.constant 0 : i32
      "tpu.trace_start"() <{level = 10 : i32, message = "ep_run_kernel"}> : () -> ()
      "tpu.region"() ({
        %run_scoped3A_284 = tpu.sem_alloc : memref<!tpu.dma_semaphore, #tpu.memory_space<semaphore_mem>>
        %dma_start3A_285 = arith.constant 0 : i32
        %dma_start3A_286 = arith.constant 0 : i32
        %dma_start3A_287 = tpu.memref_slice %run_scoped3A[%rem3A_171, %dma_start3A_285, %dma_start3A_286] : memref<2x128x384xf32, #tpu.memory_space<vmem>> -> memref<1x128x384xf32, #tpu.memory_space<vmem>>
        %dma_start3A_288 = tpu.memref_squeeze %dma_start3A_287 : memref<1x128x384xf32, #tpu.memory_space<vmem>> -> memref<128x384xf32, #tpu.memory_space<vmem>>
        %dma_start3A_289 = arith.constant 0 : i32
        %dma_start3A_290 = arith.constant 0 : i32
        %dma_start3A_291 = tpu.memref_slice %run_scoped3A_8[%rem3A_173, %dma_start3A_289, %dma_start3A_290] : memref<2x1x128xi32, #tpu.memory_space<vmem>> -> memref<1x1x128xi32, #tpu.memory_space<vmem>>
        %dma_start3A_292 = tpu.memref_squeeze %dma_start3A_291 : memref<1x1x128xi32, #tpu.memory_space<vmem>> -> memref<1x128xi32, #tpu.memory_space<vmem>>
        %dma_start3A_293 = arith.constant 0 : i32
        %dma_start3A_294 = tpu.memref_slice %dma_start3A_292[%run_scoped3A_174, %dma_start3A_293] : memref<1x128xi32, #tpu.memory_space<vmem>> -> memref<1x128xi32, #tpu.memory_space<vmem>>
        %dma_start3A_295 = tpu.memref_squeeze %dma_start3A_294 : memref<1x128xi32, #tpu.memory_space<vmem>> -> memref<128xi32, #tpu.memory_space<vmem>>
        %dma_start3A_296 = arith.constant 0 : i32
        %dma_start3A_297 = arith.constant 0 : i32
        %dma_start3A_298 = tpu.memref_slice %arg4[%dma_start3A_296, %dma_start3A_297] : memref<6144x384xf32, #tpu.memory_space<hbm>> -> memref<6144x384xf32, #tpu.memory_space<hbm>>
        tpu.enqueue_indirect_dma source(%dma_start3A_288 : memref<128x384xf32, #tpu.memory_space<vmem>>) target(%dma_start3A_298 : memref<6144x384xf32, #tpu.memory_space<hbm>>) offsets(%dma_start3A_295 : memref<128xi32, #tpu.memory_space<vmem>>) semaphore(%run_scoped3A_284 : memref<!tpu.dma_semaphore, #tpu.memory_space<semaphore_mem>>)
        %dma_wait3A = arith.constant 0 : i32
        %dma_wait3A_299 = arith.constant 0 : i32
        %dma_wait3A_300 = tpu.memref_slice %run_scoped3A[%rem3A_171, %dma_wait3A, %dma_wait3A_299] : memref<2x128x384xf32, #tpu.memory_space<vmem>> -> memref<1x128x384xf32, #tpu.memory_space<vmem>>
        %dma_wait3A_301 = tpu.memref_squeeze %dma_wait3A_300 : memref<1x128x384xf32, #tpu.memory_space<vmem>> -> memref<128x384xf32, #tpu.memory_space<vmem>>
        %dma_wait3A_302 = arith.constant 0 : i32
        %dma_wait3A_303 = arith.constant 0 : i32
        %dma_wait3A_304 = tpu.memref_slice %run_scoped3A_8[%rem3A_173, %dma_wait3A_302, %dma_wait3A_303] : memref<2x1x128xi32, #tpu.memory_space<vmem>> -> memref<1x1x128xi32, #tpu.memory_space<vmem>>
        %dma_wait3A_305 = tpu.memref_squeeze %dma_wait3A_304 : memref<1x1x128xi32, #tpu.memory_space<vmem>> -> memref<1x128xi32, #tpu.memory_space<vmem>>
        %dma_wait3A_306 = arith.constant 0 : i32
        %dma_wait3A_307 = tpu.memref_slice %dma_wait3A_305[%run_scoped3A_174, %dma_wait3A_306] : memref<1x128xi32, #tpu.memory_space<vmem>> -> memref<1x128xi32, #tpu.memory_space<vmem>>
        %dma_wait3A_308 = tpu.memref_squeeze %dma_wait3A_307 : memref<1x128xi32, #tpu.memory_space<vmem>> -> memref<128xi32, #tpu.memory_space<vmem>>
        %dma_wait3A_309 = arith.constant 0 : i32
        %dma_wait3A_310 = arith.constant 0 : i32
        %dma_wait3A_311 = tpu.memref_slice %arg4[%dma_wait3A_309, %dma_wait3A_310] : memref<6144x384xf32, #tpu.memory_space<hbm>> -> memref<6144x384xf32, #tpu.memory_space<hbm>>
        tpu.wait_indirect_dma semaphore(%run_scoped3A_284 : memref<!tpu.dma_semaphore, #tpu.memory_space<semaphore_mem>>) src(%dma_wait3A_301 : memref<128x384xf32, #tpu.memory_space<vmem>>) dst(%dma_wait3A_311 : memref<6144x384xf32, #tpu.memory_space<hbm>>)
        tpu.yield
      }) : () -> ()
      "tpu.trace_stop"() : () -> ()
      %ne3A_175 = arith.cmpi ne, %add3A_96, %add3A_116 : i32
      %or3A_176 = arith.constant false
      %or3A_177 = arith.ori %or3A_176, %ne3A_175 : i1
      %or3A_178 = arith.constant false
      %or3A_179 = arith.ori %or3A_177, %or3A_178 : i1
      %or3A_180 = arith.ori %or3A_179, %eq3A_94 : i1
      %convert_element_type3A_181 = arith.extui %or3A_180 : i1 to i32
      %cond3A_182 = arith.constant 0 : i32
      %cond3A_183 = arith.cmpi ne, %convert_element_type3A_181, %cond3A_182 : i32
      scf.if %cond3A_183 {
      } else {
      }
      %and3A_184 = arith.constant false
      %and3A_185 = arith.andi %or3A_180, %and3A_184 : i1
      %ne3A_186 = arith.cmpi ne, %add3A_96, %add3A_116 : i32
      %or3A_187 = arith.constant false
      %or3A_188 = arith.ori %or3A_187, %ne3A_186 : i1
      %or3A_189 = arith.ori %or3A_188, %eq3A_94 : i1
      %convert_element_type3A_190 = arith.extui %or3A_189 : i1 to i32
      %cond3A_191 = arith.constant 0 : i32
      %cond3A_192 = arith.cmpi ne, %convert_element_type3A_190, %cond3A_191 : i32
      scf.if %cond3A_192 {
      } else {
      }
      %and3A_193 = arith.constant false
      %and3A_194 = arith.andi %or3A_189, %and3A_193 : i1
      %ne3A_195 = arith.cmpi ne, %add3A_96, %add3A_106 : i32
      %or3A_196 = arith.constant false
      %or3A_197 = arith.ori %or3A_196, %ne3A_195 : i1
      %or3A_198 = arith.constant false
      %or3A_199 = arith.ori %or3A_197, %or3A_198 : i1
      %not3A_200 = arith.constant true
      %not3A_201 = arith.xori %eq3A_92, %not3A_200 : i1
      %and3A_202 = arith.andi %or3A_199, %not3A_201 : i1
      %convert_element_type3A_203 = arith.extui %and3A_202 : i1 to i32
      %cond3A_204 = arith.constant 0 : i32
      %cond3A_205 = arith.cmpi ne, %convert_element_type3A_203, %cond3A_204 : i32
      scf.if %cond3A_205 {
      } else {
      }
      %and3A_206 = arith.constant false
      %and3A_207 = arith.andi %and3A_202, %and3A_206 : i1
      %ne3A_208 = arith.cmpi ne, %add3A_96, %add3A_106 : i32
      %or3A_209 = arith.constant false
      %or3A_210 = arith.ori %or3A_209, %ne3A_208 : i1
      %not3A_211 = arith.constant true
      %not3A_212 = arith.xori %eq3A_92, %not3A_211 : i1
      %and3A_213 = arith.andi %or3A_210, %not3A_212 : i1
      %convert_element_type3A_214 = arith.extui %and3A_213 : i1 to i32
      %cond3A_215 = arith.constant 0 : i32
      %cond3A_216 = arith.cmpi ne, %convert_element_type3A_214, %cond3A_215 : i32
      scf.if %cond3A_216 {
      } else {
      }
      %and3A_217 = arith.constant false
      %and3A_218 = arith.andi %and3A_213, %and3A_217 : i1
      %ne3A_219 = arith.cmpi ne, %add3A_96, %add3A_116 : i32
      %or3A_220 = arith.constant false
      %or3A_221 = arith.ori %or3A_220, %ne3A_219 : i1
      %or3A_222 = arith.constant false
      %or3A_223 = arith.ori %or3A_221, %or3A_222 : i1
      %or3A_224 = arith.ori %or3A_223, %eq3A_94 : i1
      %add3A_225 = arith.constant 1 : i32
      %add3A_226 = arith.addi %scan3A, %add3A_225 : i32
      %select_n3A_227 = arith.select %or3A_224, %add3A_226, %scan3A : i32
      %ne3A_228 = arith.cmpi ne, %add3A_96, %add3A_116 : i32
      %or3A_229 = arith.constant false
      %or3A_230 = arith.ori %or3A_229, %ne3A_228 : i1
      %or3A_231 = arith.ori %or3A_230, %eq3A_94 : i1
      %add3A_232 = arith.constant 1 : i32
      %add3A_233 = arith.addi %scan3A_88, %add3A_232 : i32
      %select_n3A_234 = arith.select %or3A_231, %add3A_233, %scan3A_88 : i32
      %select_n3A_235 = arith.constant true
      %select_n3A_236 = arith.constant 0 : i32
      %select_n3A_237 = arith.constant 1 : i32
      %select_n3A_238 = arith.select %select_n3A_235, %select_n3A_237, %select_n3A_236 : i32
      %eq3A_239 = arith.constant 1 : i32
      %eq3A_240 = arith.cmpi eq, %select_n3A_238, %eq3A_239 : i32
      %select_n3A_241 = arith.constant 0 : i32
      %select_n3A_242 = arith.select %eq3A_240, %select_n3A_241, %select_n3A_238 : i32
      %scan3A_243 = arith.constant 0 : i32
      %scan3A_244 = arith.constant 1 : i32
      %sub3A = arith.constant 1 : i32
      %sub3A_245 = arith.subi %scan3A_243, %sub3A : i32
      %select_n3A_246 = arith.constant true
      %select_n3A_247 = arith.select %select_n3A_246, %sub3A_245, %scan3A_243 : i32
      %eq3A_248 = arith.constant -1 : i32
      %eq3A_249 = arith.cmpi eq, %select_n3A_247, %eq3A_248 : i32
      %select_n3A_250 = arith.constant 0 : i32
      %select_n3A_251 = arith.select %eq3A_249, %select_n3A_250, %select_n3A_247 : i32
      %add3A_252 = arith.constant 0 : i32
      %add3A_253 = arith.addi %add3A_252, %mul3A_6 : i32
      %select_n3A_254 = arith.constant true
      %select_n3A_255 = arith.constant 0 : i32
      %select_n3A_256 = arith.constant -1 : i32
      %select_n3A_257 = arith.select %select_n3A_254, %select_n3A_256, %select_n3A_255 : i32
      %eq3A_258 = arith.constant -1 : i32
      %eq3A_259 = arith.cmpi eq, %select_n3A_257, %eq3A_258 : i32
      %select_n3A_260 = arith.constant 0 : i32
      %select_n3A_261 = arith.select %eq3A_259, %select_n3A_260, %select_n3A_257 : i32
      %add3A_262 = arith.constant 0 : i32
      %add3A_263 = arith.addi %add3A_262, %mul3A_6 : i32
      %select_n3A_264 = arith.constant true
      %select_n3A_265 = arith.constant 0 : i32
      %select_n3A_266 = arith.constant 1 : i32
      %select_n3A_267 = arith.select %select_n3A_264, %select_n3A_266, %select_n3A_265 : i32
      %eq3A_268 = arith.constant 1 : i32
      %eq3A_269 = arith.cmpi eq, %select_n3A_267, %eq3A_268 : i32
      %select_n3A_270 = arith.constant 0 : i32
      %select_n3A_271 = arith.select %eq3A_269, %select_n3A_270, %select_n3A_267 : i32
      %add3A_272 = arith.constant 0 : i32
      %add3A_273 = arith.addi %add3A_272, %mul3A_6 : i32
      %select_n3A_274 = arith.constant true
      %select_n3A_275 = arith.constant 0 : i32
      %select_n3A_276 = arith.constant 1 : i32
      %select_n3A_277 = arith.select %select_n3A_274, %select_n3A_276, %select_n3A_275 : i32
      %eq3A_278 = arith.constant 1 : i32
      %eq3A_279 = arith.cmpi eq, %select_n3A_277, %eq3A_278 : i32
      %select_n3A_280 = arith.constant 0 : i32
      %select_n3A_281 = arith.select %eq3A_279, %select_n3A_280, %select_n3A_277 : i32
      %add3A_282 = arith.constant 0 : i32
      %add3A_283 = arith.addi %add3A_282, %mul3A_6 : i32
      tpu.yield
    }) : () -> ()
    return
  }
}

module attributes {stable_mosaic.version = 14 : i64} {
  func.func @_meta_kernel(%arg0: memref<32x128xi32, #tpu.memory_space<vmem>>, %arg1: memref<32x128xi32, #tpu.memory_space<vmem>>, %arg2: memref<1x128xi32, #tpu.memory_space<vmem>>) attributes {dimension_semantics = [], scalar_prefetch = 0 : i64, scratch_operands = 0 : i64, tpu.core_type = #tpu.core_type<tc>} {
    %get3A = arith.constant 0 : index
    %get3A_0 = arith.constant 0 : index
    %get3A_1 = vector.load %arg0[%get3A, %get3A_0] : memref<32x128xi32, #tpu.memory_space<vmem>>, vector<32x128xi32>
    %iota3A = tpu.iota {dimensions = array<i32: 0>} : vector<128x128xi32>
    %iota3A_2 = tpu.iota {dimensions = array<i32: 1>} : vector<128x128xi32>
    %lt3A = arith.cmpi slt, %iota3A, %iota3A_2 : vector<128x128xi32>
    %convert_element_type3A = arith.extui %lt3A : vector<128x128xi1> to vector<128x128xi32>
    %convert_element_type3A_3 = arith.sitofp %convert_element_type3A : vector<128x128xi32> to vector<128x128xf32>
    %convert_element_type3A_4 = arith.truncf %convert_element_type3A_3 : vector<128x128xf32> to vector<128x128xbf16>
    %iota3A_5 = tpu.iota {dimensions = array<i32: 0>} : vector<32x32xi32>
    %iota3A_6 = tpu.iota {dimensions = array<i32: 1>} : vector<32x32xi32>
    %gt3A = arith.cmpi sgt, %iota3A_5, %iota3A_6 : vector<32x32xi32>
    %convert_element_type3A_7 = arith.extui %gt3A : vector<32x32xi1> to vector<32x32xi32>
    %convert_element_type3A_8 = arith.sitofp %convert_element_type3A_7 : vector<32x32xi32> to vector<32x32xf32>
    %convert_element_type3A_9 = arith.truncf %convert_element_type3A_8 : vector<32x32xf32> to vector<32x32xbf16>
    %broadcast_in_dim3A = arith.constant 0.000000e+00 : f32
    %broadcast_in_dim3A_10 = vector.broadcast %broadcast_in_dim3A : f32 to vector<32x128xf32>
    %eq3A = arith.constant 0 : i32
    %eq3A_11 = vector.broadcast %eq3A : i32 to vector<32x128xi32>
    %eq3A_12 = arith.cmpi eq, %get3A_1, %eq3A_11 : vector<32x128xi32>
    %convert_element_type3A_13 = arith.extui %eq3A_12 : vector<32x128xi1> to vector<32x128xi32>
    %convert_element_type3A_14 = arith.sitofp %convert_element_type3A_13 : vector<32x128xi32> to vector<32x128xf32>
    %convert_element_type3A_15 = arith.truncf %convert_element_type3A_14 : vector<32x128xf32> to vector<32x128xbf16>
    %dot_general3A = arith.constant dense<0.000000e+00> : vector<32x128xf32>
    %dot_general3A_16 = tpu.matmul %convert_element_type3A_15, %convert_element_type3A_4, %dot_general3A {dimension_numbers = #tpu.dot_dimension_numbers<[1], [0], [0], [1], [0, 0, 1, 1], [], []>, transpose_lhs_hint = false} : vector<32x128xbf16>, vector<128x128xbf16>, vector<32x128xf32> -> vector<32x128xf32>
    %dot_general3A_17 = arith.constant dense<0.000000e+00> : vector<32x128xf32>
    %dot_general3A_18 = tpu.matmul %convert_element_type3A_9, %convert_element_type3A_15, %dot_general3A_17 {dimension_numbers = #tpu.dot_dimension_numbers<[1], [0], [0], [1], [0, 0, 1, 1], [], []>, transpose_lhs_hint = false} : vector<32x32xbf16>, vector<32x128xbf16>, vector<32x128xf32> -> vector<32x128xf32>
    %reduce_sum3A = arith.constant dense<0.000000e+00> : vector<32xf32>
    %reduce_sum3A_19 = vector.multi_reduction <add>, %dot_general3A_18, %reduce_sum3A [1] : vector<32x128xf32> to vector<32xf32>
    %broadcast_in_dim3A_20 = vector.shape_cast %reduce_sum3A_19 : vector<32xf32> to vector<32x1xf32>
    %add3A = vector.broadcast %broadcast_in_dim3A_20 : vector<32x1xf32> to vector<32x128xf32>
    %add3A_21 = arith.addf %dot_general3A_16, %add3A : vector<32x128xf32>
    %convert_element_type3A_22 = arith.extf %convert_element_type3A_15 : vector<32x128xbf16> to vector<32x128xf32>
    %reduce_sum3A_23 = vector.shape_cast %convert_element_type3A_22 : vector<32x128xf32> to vector<1x32x128xf32>
    %reduce_sum3A_24 = arith.constant dense<0.000000e+00> : vector<1xf32>
    %reduce_sum3A_25 = vector.multi_reduction <add>, %reduce_sum3A_23, %reduce_sum3A_24 [1, 2] : vector<1x32x128xf32> to vector<1xf32>
    %reduce_sum3A_26 = vector.shape_cast %reduce_sum3A_25 : vector<1xf32> to vector<1x1x1xf32>
    %reduce_sum3A_27 = vector.extract %reduce_sum3A_26[0, 0, 0] : f32 from vector<1x1x1xf32>
    %convert_element_type3A_28 = arith.fptosi %reduce_sum3A_27 : f32 to i32
    %add3A_29 = arith.constant 0.000000e+00 : f32
    %add3A_30 = vector.broadcast %add3A_29 : f32 to vector<32x128xf32>
    %add3A_31 = arith.addf %add3A_21, %add3A_30 : vector<32x128xf32>
    %jit3A = arith.constant 0.000000e+00 : f32
    %broadcast_in_dim3A_32 = vector.broadcast %jit3A : f32 to vector<32x128xf32>
    %select_n3A = arith.select %eq3A_12, %add3A_31, %broadcast_in_dim3A_32 : vector<32x128xi1>, vector<32x128xf32>
    %add3A_33 = arith.addf %broadcast_in_dim3A_10, %select_n3A : vector<32x128xf32>
    %add3A_34 = arith.constant 256 : i32
    %add3A_35 = arith.addi %convert_element_type3A_28, %add3A_34 : i32
    %sub3A = arith.constant 1 : i32
    %sub3A_36 = arith.subi %add3A_35, %sub3A : i32
    %jit3A_37 = arith.constant 256 : i32
    %div3A = arith.divsi %sub3A_36, %jit3A_37 : i32
    %sign3A = arith.constant 0 : i32
    %sign3A_38 = arith.cmpi sgt, %sub3A_36, %sign3A : i32
    %sign3A_39 = arith.extui %sign3A_38 : i1 to i32
    %sign3A_40 = arith.constant 0 : i32
    %sign3A_41 = arith.cmpi slt, %sub3A_36, %sign3A_40 : i32
    %sign3A_42 = arith.extui %sign3A_41 : i1 to i32
    %sign3A_43 = arith.subi %sign3A_39, %sign3A_42 : i32
    %sign3A_44 = arith.constant 0 : i32
    %sign3A_45 = arith.cmpi sgt, %jit3A_37, %sign3A_44 : i32
    %sign3A_46 = arith.extui %sign3A_45 : i1 to i32
    %sign3A_47 = arith.constant 0 : i32
    %sign3A_48 = arith.cmpi slt, %jit3A_37, %sign3A_47 : i32
    %sign3A_49 = arith.extui %sign3A_48 : i1 to i32
    %sign3A_50 = arith.subi %sign3A_46, %sign3A_49 : i32
    %ne3A = arith.cmpi ne, %sign3A_43, %sign3A_50 : i32
    %rem3A = arith.remsi %sub3A_36, %jit3A_37 : i32
    %ne3A_51 = arith.constant 0 : i32
    %ne3A_52 = arith.cmpi ne, %rem3A, %ne3A_51 : i32
    %and3A = arith.andi %ne3A, %ne3A_52 : i1
    %sub3A_53 = arith.constant 1 : i32
    %sub3A_54 = arith.subi %div3A, %sub3A_53 : i32
    %select_n3A_55 = arith.select %and3A, %sub3A_54, %div3A : i32
    %mul3A = arith.constant 256 : i32
    %mul3A_56 = arith.muli %select_n3A_55, %mul3A : i32
    %add3A_57 = arith.constant 0 : i32
    %add3A_58 = arith.addi %add3A_57, %mul3A_56 : i32
    %jit3A_59 = arith.constant 256 : i32
    %div3A_60 = arith.divsi %add3A_58, %jit3A_59 : i32
    %sign3A_61 = arith.constant 0 : i32
    %sign3A_62 = arith.cmpi sgt, %add3A_58, %sign3A_61 : i32
    %sign3A_63 = arith.extui %sign3A_62 : i1 to i32
    %sign3A_64 = arith.constant 0 : i32
    %sign3A_65 = arith.cmpi slt, %add3A_58, %sign3A_64 : i32
    %sign3A_66 = arith.extui %sign3A_65 : i1 to i32
    %sign3A_67 = arith.subi %sign3A_63, %sign3A_66 : i32
    %sign3A_68 = arith.constant 0 : i32
    %sign3A_69 = arith.cmpi sgt, %jit3A_59, %sign3A_68 : i32
    %sign3A_70 = arith.extui %sign3A_69 : i1 to i32
    %sign3A_71 = arith.constant 0 : i32
    %sign3A_72 = arith.cmpi slt, %jit3A_59, %sign3A_71 : i32
    %sign3A_73 = arith.extui %sign3A_72 : i1 to i32
    %sign3A_74 = arith.subi %sign3A_70, %sign3A_73 : i32
    %ne3A_75 = arith.cmpi ne, %sign3A_67, %sign3A_74 : i32
    %rem3A_76 = arith.remsi %add3A_58, %jit3A_59 : i32
    %ne3A_77 = arith.constant 0 : i32
    %ne3A_78 = arith.cmpi ne, %rem3A_76, %ne3A_77 : i32
    %and3A_79 = arith.andi %ne3A_75, %ne3A_78 : i1
    %sub3A_80 = arith.constant 1 : i32
    %sub3A_81 = arith.subi %div3A_60, %sub3A_80 : i32
    %select_n3A_82 = arith.select %and3A_79, %sub3A_81, %div3A_60 : i32
    %eq3A_83 = arith.constant 1 : i32
    %eq3A_84 = vector.broadcast %eq3A_83 : i32 to vector<32x128xi32>
    %eq3A_85 = arith.cmpi eq, %get3A_1, %eq3A_84 : vector<32x128xi32>
    %convert_element_type3A_86 = arith.extui %eq3A_85 : vector<32x128xi1> to vector<32x128xi32>
    %convert_element_type3A_87 = arith.sitofp %convert_element_type3A_86 : vector<32x128xi32> to vector<32x128xf32>
    %convert_element_type3A_88 = arith.truncf %convert_element_type3A_87 : vector<32x128xf32> to vector<32x128xbf16>
    %dot_general3A_89 = arith.constant dense<0.000000e+00> : vector<32x128xf32>
    %dot_general3A_90 = tpu.matmul %convert_element_type3A_88, %convert_element_type3A_4, %dot_general3A_89 {dimension_numbers = #tpu.dot_dimension_numbers<[1], [0], [0], [1], [0, 0, 1, 1], [], []>, transpose_lhs_hint = false} : vector<32x128xbf16>, vector<128x128xbf16>, vector<32x128xf32> -> vector<32x128xf32>
    %dot_general3A_91 = arith.constant dense<0.000000e+00> : vector<32x128xf32>
    %dot_general3A_92 = tpu.matmul %convert_element_type3A_9, %convert_element_type3A_88, %dot_general3A_91 {dimension_numbers = #tpu.dot_dimension_numbers<[1], [0], [0], [1], [0, 0, 1, 1], [], []>, transpose_lhs_hint = false} : vector<32x32xbf16>, vector<32x128xbf16>, vector<32x128xf32> -> vector<32x128xf32>
    %reduce_sum3A_93 = arith.constant dense<0.000000e+00> : vector<32xf32>
    %reduce_sum3A_94 = vector.multi_reduction <add>, %dot_general3A_92, %reduce_sum3A_93 [1] : vector<32x128xf32> to vector<32xf32>
    %broadcast_in_dim3A_95 = vector.shape_cast %reduce_sum3A_94 : vector<32xf32> to vector<32x1xf32>
    %add3A_96 = vector.broadcast %broadcast_in_dim3A_95 : vector<32x1xf32> to vector<32x128xf32>
    %add3A_97 = arith.addf %dot_general3A_90, %add3A_96 : vector<32x128xf32>
    %convert_element_type3A_98 = arith.extf %convert_element_type3A_88 : vector<32x128xbf16> to vector<32x128xf32>
    %reduce_sum3A_99 = vector.shape_cast %convert_element_type3A_98 : vector<32x128xf32> to vector<1x32x128xf32>
    %reduce_sum3A_100 = arith.constant dense<0.000000e+00> : vector<1xf32>
    %reduce_sum3A_101 = vector.multi_reduction <add>, %reduce_sum3A_99, %reduce_sum3A_100 [1, 2] : vector<1x32x128xf32> to vector<1xf32>
    %reduce_sum3A_102 = vector.shape_cast %reduce_sum3A_101 : vector<1xf32> to vector<1x1x1xf32>
    %reduce_sum3A_103 = vector.extract %reduce_sum3A_102[0, 0, 0] : f32 from vector<1x1x1xf32>
    %convert_element_type3A_104 = arith.fptosi %reduce_sum3A_103 : f32 to i32
    %convert_element_type3A_105 = arith.sitofp %add3A_58 : i32 to f32
    %add3A_106 = vector.broadcast %convert_element_type3A_105 : f32 to vector<32x128xf32>
    %add3A_107 = arith.addf %add3A_97, %add3A_106 : vector<32x128xf32>
    %jit3A_108 = arith.constant 0.000000e+00 : f32
    %broadcast_in_dim3A_109 = vector.broadcast %jit3A_108 : f32 to vector<32x128xf32>
    %select_n3A_110 = arith.select %eq3A_85, %add3A_107, %broadcast_in_dim3A_109 : vector<32x128xi1>, vector<32x128xf32>
    %add3A_111 = arith.addf %add3A_33, %select_n3A_110 : vector<32x128xf32>
    %add3A_112 = arith.constant 256 : i32
    %add3A_113 = arith.addi %convert_element_type3A_104, %add3A_112 : i32
    %sub3A_114 = arith.constant 1 : i32
    %sub3A_115 = arith.subi %add3A_113, %sub3A_114 : i32
    %jit3A_116 = arith.constant 256 : i32
    %div3A_117 = arith.divsi %sub3A_115, %jit3A_116 : i32
    %sign3A_118 = arith.constant 0 : i32
    %sign3A_119 = arith.cmpi sgt, %sub3A_115, %sign3A_118 : i32
    %sign3A_120 = arith.extui %sign3A_119 : i1 to i32
    %sign3A_121 = arith.constant 0 : i32
    %sign3A_122 = arith.cmpi slt, %sub3A_115, %sign3A_121 : i32
    %sign3A_123 = arith.extui %sign3A_122 : i1 to i32
    %sign3A_124 = arith.subi %sign3A_120, %sign3A_123 : i32
    %sign3A_125 = arith.constant 0 : i32
    %sign3A_126 = arith.cmpi sgt, %jit3A_116, %sign3A_125 : i32
    %sign3A_127 = arith.extui %sign3A_126 : i1 to i32
    %sign3A_128 = arith.constant 0 : i32
    %sign3A_129 = arith.cmpi slt, %jit3A_116, %sign3A_128 : i32
    %sign3A_130 = arith.extui %sign3A_129 : i1 to i32
    %sign3A_131 = arith.subi %sign3A_127, %sign3A_130 : i32
    %ne3A_132 = arith.cmpi ne, %sign3A_124, %sign3A_131 : i32
    %rem3A_133 = arith.remsi %sub3A_115, %jit3A_116 : i32
    %ne3A_134 = arith.constant 0 : i32
    %ne3A_135 = arith.cmpi ne, %rem3A_133, %ne3A_134 : i32
    %and3A_136 = arith.andi %ne3A_132, %ne3A_135 : i1
    %sub3A_137 = arith.constant 1 : i32
    %sub3A_138 = arith.subi %div3A_117, %sub3A_137 : i32
    %select_n3A_139 = arith.select %and3A_136, %sub3A_138, %div3A_117 : i32
    %mul3A_140 = arith.constant 256 : i32
    %mul3A_141 = arith.muli %select_n3A_139, %mul3A_140 : i32
    %add3A_142 = arith.addi %add3A_58, %mul3A_141 : i32
    %jit3A_143 = arith.constant 256 : i32
    %div3A_144 = arith.divsi %add3A_142, %jit3A_143 : i32
    %sign3A_145 = arith.constant 0 : i32
    %sign3A_146 = arith.cmpi sgt, %add3A_142, %sign3A_145 : i32
    %sign3A_147 = arith.extui %sign3A_146 : i1 to i32
    %sign3A_148 = arith.constant 0 : i32
    %sign3A_149 = arith.cmpi slt, %add3A_142, %sign3A_148 : i32
    %sign3A_150 = arith.extui %sign3A_149 : i1 to i32
    %sign3A_151 = arith.subi %sign3A_147, %sign3A_150 : i32
    %sign3A_152 = arith.constant 0 : i32
    %sign3A_153 = arith.cmpi sgt, %jit3A_143, %sign3A_152 : i32
    %sign3A_154 = arith.extui %sign3A_153 : i1 to i32
    %sign3A_155 = arith.constant 0 : i32
    %sign3A_156 = arith.cmpi slt, %jit3A_143, %sign3A_155 : i32
    %sign3A_157 = arith.extui %sign3A_156 : i1 to i32
    %sign3A_158 = arith.subi %sign3A_154, %sign3A_157 : i32
    %ne3A_159 = arith.cmpi ne, %sign3A_151, %sign3A_158 : i32
    %rem3A_160 = arith.remsi %add3A_142, %jit3A_143 : i32
    %ne3A_161 = arith.constant 0 : i32
    %ne3A_162 = arith.cmpi ne, %rem3A_160, %ne3A_161 : i32
    %and3A_163 = arith.andi %ne3A_159, %ne3A_162 : i1
    %sub3A_164 = arith.constant 1 : i32
    %sub3A_165 = arith.subi %div3A_144, %sub3A_164 : i32
    %select_n3A_166 = arith.select %and3A_163, %sub3A_165, %div3A_144 : i32
    %eq3A_167 = arith.constant 2 : i32
    %eq3A_168 = vector.broadcast %eq3A_167 : i32 to vector<32x128xi32>
    %eq3A_169 = arith.cmpi eq, %get3A_1, %eq3A_168 : vector<32x128xi32>
    %convert_element_type3A_170 = arith.extui %eq3A_169 : vector<32x128xi1> to vector<32x128xi32>
    %convert_element_type3A_171 = arith.sitofp %convert_element_type3A_170 : vector<32x128xi32> to vector<32x128xf32>
    %convert_element_type3A_172 = arith.truncf %convert_element_type3A_171 : vector<32x128xf32> to vector<32x128xbf16>
    %dot_general3A_173 = arith.constant dense<0.000000e+00> : vector<32x128xf32>
    %dot_general3A_174 = tpu.matmul %convert_element_type3A_172, %convert_element_type3A_4, %dot_general3A_173 {dimension_numbers = #tpu.dot_dimension_numbers<[1], [0], [0], [1], [0, 0, 1, 1], [], []>, transpose_lhs_hint = false} : vector<32x128xbf16>, vector<128x128xbf16>, vector<32x128xf32> -> vector<32x128xf32>
    %dot_general3A_175 = arith.constant dense<0.000000e+00> : vector<32x128xf32>
    %dot_general3A_176 = tpu.matmul %convert_element_type3A_9, %convert_element_type3A_172, %dot_general3A_175 {dimension_numbers = #tpu.dot_dimension_numbers<[1], [0], [0], [1], [0, 0, 1, 1], [], []>, transpose_lhs_hint = false} : vector<32x32xbf16>, vector<32x128xbf16>, vector<32x128xf32> -> vector<32x128xf32>
    %reduce_sum3A_177 = arith.constant dense<0.000000e+00> : vector<32xf32>
    %reduce_sum3A_178 = vector.multi_reduction <add>, %dot_general3A_176, %reduce_sum3A_177 [1] : vector<32x128xf32> to vector<32xf32>
    %broadcast_in_dim3A_179 = vector.shape_cast %reduce_sum3A_178 : vector<32xf32> to vector<32x1xf32>
    %add3A_180 = vector.broadcast %broadcast_in_dim3A_179 : vector<32x1xf32> to vector<32x128xf32>
    %add3A_181 = arith.addf %dot_general3A_174, %add3A_180 : vector<32x128xf32>
    %convert_element_type3A_182 = arith.extf %convert_element_type3A_172 : vector<32x128xbf16> to vector<32x128xf32>
    %reduce_sum3A_183 = vector.shape_cast %convert_element_type3A_182 : vector<32x128xf32> to vector<1x32x128xf32>
    %reduce_sum3A_184 = arith.constant dense<0.000000e+00> : vector<1xf32>
    %reduce_sum3A_185 = vector.multi_reduction <add>, %reduce_sum3A_183, %reduce_sum3A_184 [1, 2] : vector<1x32x128xf32> to vector<1xf32>
    %reduce_sum3A_186 = vector.shape_cast %reduce_sum3A_185 : vector<1xf32> to vector<1x1x1xf32>
    %reduce_sum3A_187 = vector.extract %reduce_sum3A_186[0, 0, 0] : f32 from vector<1x1x1xf32>
    %convert_element_type3A_188 = arith.fptosi %reduce_sum3A_187 : f32 to i32
    %convert_element_type3A_189 = arith.sitofp %add3A_142 : i32 to f32
    %add3A_190 = vector.broadcast %convert_element_type3A_189 : f32 to vector<32x128xf32>
    %add3A_191 = arith.addf %add3A_181, %add3A_190 : vector<32x128xf32>
    %jit3A_192 = arith.constant 0.000000e+00 : f32
    %broadcast_in_dim3A_193 = vector.broadcast %jit3A_192 : f32 to vector<32x128xf32>
    %select_n3A_194 = arith.select %eq3A_169, %add3A_191, %broadcast_in_dim3A_193 : vector<32x128xi1>, vector<32x128xf32>
    %add3A_195 = arith.addf %add3A_111, %select_n3A_194 : vector<32x128xf32>
    %add3A_196 = arith.constant 256 : i32
    %add3A_197 = arith.addi %convert_element_type3A_188, %add3A_196 : i32
    %sub3A_198 = arith.constant 1 : i32
    %sub3A_199 = arith.subi %add3A_197, %sub3A_198 : i32
    %jit3A_200 = arith.constant 256 : i32
    %div3A_201 = arith.divsi %sub3A_199, %jit3A_200 : i32
    %sign3A_202 = arith.constant 0 : i32
    %sign3A_203 = arith.cmpi sgt, %sub3A_199, %sign3A_202 : i32
    %sign3A_204 = arith.extui %sign3A_203 : i1 to i32
    %sign3A_205 = arith.constant 0 : i32
    %sign3A_206 = arith.cmpi slt, %sub3A_199, %sign3A_205 : i32
    %sign3A_207 = arith.extui %sign3A_206 : i1 to i32
    %sign3A_208 = arith.subi %sign3A_204, %sign3A_207 : i32
    %sign3A_209 = arith.constant 0 : i32
    %sign3A_210 = arith.cmpi sgt, %jit3A_200, %sign3A_209 : i32
    %sign3A_211 = arith.extui %sign3A_210 : i1 to i32
    %sign3A_212 = arith.constant 0 : i32
    %sign3A_213 = arith.cmpi slt, %jit3A_200, %sign3A_212 : i32
    %sign3A_214 = arith.extui %sign3A_213 : i1 to i32
    %sign3A_215 = arith.subi %sign3A_211, %sign3A_214 : i32
    %ne3A_216 = arith.cmpi ne, %sign3A_208, %sign3A_215 : i32
    %rem3A_217 = arith.remsi %sub3A_199, %jit3A_200 : i32
    %ne3A_218 = arith.constant 0 : i32
    %ne3A_219 = arith.cmpi ne, %rem3A_217, %ne3A_218 : i32
    %and3A_220 = arith.andi %ne3A_216, %ne3A_219 : i1
    %sub3A_221 = arith.constant 1 : i32
    %sub3A_222 = arith.subi %div3A_201, %sub3A_221 : i32
    %select_n3A_223 = arith.select %and3A_220, %sub3A_222, %div3A_201 : i32
    %mul3A_224 = arith.constant 256 : i32
    %mul3A_225 = arith.muli %select_n3A_223, %mul3A_224 : i32
    %add3A_226 = arith.addi %add3A_142, %mul3A_225 : i32
    %jit3A_227 = arith.constant 256 : i32
    %div3A_228 = arith.divsi %add3A_226, %jit3A_227 : i32
    %sign3A_229 = arith.constant 0 : i32
    %sign3A_230 = arith.cmpi sgt, %add3A_226, %sign3A_229 : i32
    %sign3A_231 = arith.extui %sign3A_230 : i1 to i32
    %sign3A_232 = arith.constant 0 : i32
    %sign3A_233 = arith.cmpi slt, %add3A_226, %sign3A_232 : i32
    %sign3A_234 = arith.extui %sign3A_233 : i1 to i32
    %sign3A_235 = arith.subi %sign3A_231, %sign3A_234 : i32
    %sign3A_236 = arith.constant 0 : i32
    %sign3A_237 = arith.cmpi sgt, %jit3A_227, %sign3A_236 : i32
    %sign3A_238 = arith.extui %sign3A_237 : i1 to i32
    %sign3A_239 = arith.constant 0 : i32
    %sign3A_240 = arith.cmpi slt, %jit3A_227, %sign3A_239 : i32
    %sign3A_241 = arith.extui %sign3A_240 : i1 to i32
    %sign3A_242 = arith.subi %sign3A_238, %sign3A_241 : i32
    %ne3A_243 = arith.cmpi ne, %sign3A_235, %sign3A_242 : i32
    %rem3A_244 = arith.remsi %add3A_226, %jit3A_227 : i32
    %ne3A_245 = arith.constant 0 : i32
    %ne3A_246 = arith.cmpi ne, %rem3A_244, %ne3A_245 : i32
    %and3A_247 = arith.andi %ne3A_243, %ne3A_246 : i1
    %sub3A_248 = arith.constant 1 : i32
    %sub3A_249 = arith.subi %div3A_228, %sub3A_248 : i32
    %select_n3A_250 = arith.select %and3A_247, %sub3A_249, %div3A_228 : i32
    %eq3A_251 = arith.constant 3 : i32
    %eq3A_252 = vector.broadcast %eq3A_251 : i32 to vector<32x128xi32>
    %eq3A_253 = arith.cmpi eq, %get3A_1, %eq3A_252 : vector<32x128xi32>
    %convert_element_type3A_254 = arith.extui %eq3A_253 : vector<32x128xi1> to vector<32x128xi32>
    %convert_element_type3A_255 = arith.sitofp %convert_element_type3A_254 : vector<32x128xi32> to vector<32x128xf32>
    %convert_element_type3A_256 = arith.truncf %convert_element_type3A_255 : vector<32x128xf32> to vector<32x128xbf16>
    %dot_general3A_257 = arith.constant dense<0.000000e+00> : vector<32x128xf32>
    %dot_general3A_258 = tpu.matmul %convert_element_type3A_256, %convert_element_type3A_4, %dot_general3A_257 {dimension_numbers = #tpu.dot_dimension_numbers<[1], [0], [0], [1], [0, 0, 1, 1], [], []>, transpose_lhs_hint = false} : vector<32x128xbf16>, vector<128x128xbf16>, vector<32x128xf32> -> vector<32x128xf32>
    %dot_general3A_259 = arith.constant dense<0.000000e+00> : vector<32x128xf32>
    %dot_general3A_260 = tpu.matmul %convert_element_type3A_9, %convert_element_type3A_256, %dot_general3A_259 {dimension_numbers = #tpu.dot_dimension_numbers<[1], [0], [0], [1], [0, 0, 1, 1], [], []>, transpose_lhs_hint = false} : vector<32x32xbf16>, vector<32x128xbf16>, vector<32x128xf32> -> vector<32x128xf32>
    %reduce_sum3A_261 = arith.constant dense<0.000000e+00> : vector<32xf32>
    %reduce_sum3A_262 = vector.multi_reduction <add>, %dot_general3A_260, %reduce_sum3A_261 [1] : vector<32x128xf32> to vector<32xf32>
    %broadcast_in_dim3A_263 = vector.shape_cast %reduce_sum3A_262 : vector<32xf32> to vector<32x1xf32>
    %add3A_264 = vector.broadcast %broadcast_in_dim3A_263 : vector<32x1xf32> to vector<32x128xf32>
    %add3A_265 = arith.addf %dot_general3A_258, %add3A_264 : vector<32x128xf32>
    %convert_element_type3A_266 = arith.extf %convert_element_type3A_256 : vector<32x128xbf16> to vector<32x128xf32>
    %reduce_sum3A_267 = vector.shape_cast %convert_element_type3A_266 : vector<32x128xf32> to vector<1x32x128xf32>
    %reduce_sum3A_268 = arith.constant dense<0.000000e+00> : vector<1xf32>
    %reduce_sum3A_269 = vector.multi_reduction <add>, %reduce_sum3A_267, %reduce_sum3A_268 [1, 2] : vector<1x32x128xf32> to vector<1xf32>
    %reduce_sum3A_270 = vector.shape_cast %reduce_sum3A_269 : vector<1xf32> to vector<1x1x1xf32>
    %reduce_sum3A_271 = vector.extract %reduce_sum3A_270[0, 0, 0] : f32 from vector<1x1x1xf32>
    %convert_element_type3A_272 = arith.fptosi %reduce_sum3A_271 : f32 to i32
    %convert_element_type3A_273 = arith.sitofp %add3A_226 : i32 to f32
    %add3A_274 = vector.broadcast %convert_element_type3A_273 : f32 to vector<32x128xf32>
    %add3A_275 = arith.addf %add3A_265, %add3A_274 : vector<32x128xf32>
    %jit3A_276 = arith.constant 0.000000e+00 : f32
    %broadcast_in_dim3A_277 = vector.broadcast %jit3A_276 : f32 to vector<32x128xf32>
    %select_n3A_278 = arith.select %eq3A_253, %add3A_275, %broadcast_in_dim3A_277 : vector<32x128xi1>, vector<32x128xf32>
    %add3A_279 = arith.addf %add3A_195, %select_n3A_278 : vector<32x128xf32>
    %add3A_280 = arith.constant 256 : i32
    %add3A_281 = arith.addi %convert_element_type3A_272, %add3A_280 : i32
    %sub3A_282 = arith.constant 1 : i32
    %sub3A_283 = arith.subi %add3A_281, %sub3A_282 : i32
    %jit3A_284 = arith.constant 256 : i32
    %div3A_285 = arith.divsi %sub3A_283, %jit3A_284 : i32
    %sign3A_286 = arith.constant 0 : i32
    %sign3A_287 = arith.cmpi sgt, %sub3A_283, %sign3A_286 : i32
    %sign3A_288 = arith.extui %sign3A_287 : i1 to i32
    %sign3A_289 = arith.constant 0 : i32
    %sign3A_290 = arith.cmpi slt, %sub3A_283, %sign3A_289 : i32
    %sign3A_291 = arith.extui %sign3A_290 : i1 to i32
    %sign3A_292 = arith.subi %sign3A_288, %sign3A_291 : i32
    %sign3A_293 = arith.constant 0 : i32
    %sign3A_294 = arith.cmpi sgt, %jit3A_284, %sign3A_293 : i32
    %sign3A_295 = arith.extui %sign3A_294 : i1 to i32
    %sign3A_296 = arith.constant 0 : i32
    %sign3A_297 = arith.cmpi slt, %jit3A_284, %sign3A_296 : i32
    %sign3A_298 = arith.extui %sign3A_297 : i1 to i32
    %sign3A_299 = arith.subi %sign3A_295, %sign3A_298 : i32
    %ne3A_300 = arith.cmpi ne, %sign3A_292, %sign3A_299 : i32
    %rem3A_301 = arith.remsi %sub3A_283, %jit3A_284 : i32
    %ne3A_302 = arith.constant 0 : i32
    %ne3A_303 = arith.cmpi ne, %rem3A_301, %ne3A_302 : i32
    %and3A_304 = arith.andi %ne3A_300, %ne3A_303 : i1
    %sub3A_305 = arith.constant 1 : i32
    %sub3A_306 = arith.subi %div3A_285, %sub3A_305 : i32
    %select_n3A_307 = arith.select %and3A_304, %sub3A_306, %div3A_285 : i32
    %mul3A_308 = arith.constant 256 : i32
    %mul3A_309 = arith.muli %select_n3A_307, %mul3A_308 : i32
    %add3A_310 = arith.addi %add3A_226, %mul3A_309 : i32
    %jit3A_311 = arith.constant 256 : i32
    %div3A_312 = arith.divsi %add3A_310, %jit3A_311 : i32
    %sign3A_313 = arith.constant 0 : i32
    %sign3A_314 = arith.cmpi sgt, %add3A_310, %sign3A_313 : i32
    %sign3A_315 = arith.extui %sign3A_314 : i1 to i32
    %sign3A_316 = arith.constant 0 : i32
    %sign3A_317 = arith.cmpi slt, %add3A_310, %sign3A_316 : i32
    %sign3A_318 = arith.extui %sign3A_317 : i1 to i32
    %sign3A_319 = arith.subi %sign3A_315, %sign3A_318 : i32
    %sign3A_320 = arith.constant 0 : i32
    %sign3A_321 = arith.cmpi sgt, %jit3A_311, %sign3A_320 : i32
    %sign3A_322 = arith.extui %sign3A_321 : i1 to i32
    %sign3A_323 = arith.constant 0 : i32
    %sign3A_324 = arith.cmpi slt, %jit3A_311, %sign3A_323 : i32
    %sign3A_325 = arith.extui %sign3A_324 : i1 to i32
    %sign3A_326 = arith.subi %sign3A_322, %sign3A_325 : i32
    %ne3A_327 = arith.cmpi ne, %sign3A_319, %sign3A_326 : i32
    %rem3A_328 = arith.remsi %add3A_310, %jit3A_311 : i32
    %ne3A_329 = arith.constant 0 : i32
    %ne3A_330 = arith.cmpi ne, %rem3A_328, %ne3A_329 : i32
    %and3A_331 = arith.andi %ne3A_327, %ne3A_330 : i1
    %sub3A_332 = arith.constant 1 : i32
    %sub3A_333 = arith.subi %div3A_312, %sub3A_332 : i32
    %select_n3A_334 = arith.select %and3A_331, %sub3A_333, %div3A_312 : i32
    %eq3A_335 = arith.constant 4 : i32
    %eq3A_336 = vector.broadcast %eq3A_335 : i32 to vector<32x128xi32>
    %eq3A_337 = arith.cmpi eq, %get3A_1, %eq3A_336 : vector<32x128xi32>
    %convert_element_type3A_338 = arith.extui %eq3A_337 : vector<32x128xi1> to vector<32x128xi32>
    %convert_element_type3A_339 = arith.sitofp %convert_element_type3A_338 : vector<32x128xi32> to vector<32x128xf32>
    %convert_element_type3A_340 = arith.truncf %convert_element_type3A_339 : vector<32x128xf32> to vector<32x128xbf16>
    %dot_general3A_341 = arith.constant dense<0.000000e+00> : vector<32x128xf32>
    %dot_general3A_342 = tpu.matmul %convert_element_type3A_340, %convert_element_type3A_4, %dot_general3A_341 {dimension_numbers = #tpu.dot_dimension_numbers<[1], [0], [0], [1], [0, 0, 1, 1], [], []>, transpose_lhs_hint = false} : vector<32x128xbf16>, vector<128x128xbf16>, vector<32x128xf32> -> vector<32x128xf32>
    %dot_general3A_343 = arith.constant dense<0.000000e+00> : vector<32x128xf32>
    %dot_general3A_344 = tpu.matmul %convert_element_type3A_9, %convert_element_type3A_340, %dot_general3A_343 {dimension_numbers = #tpu.dot_dimension_numbers<[1], [0], [0], [1], [0, 0, 1, 1], [], []>, transpose_lhs_hint = false} : vector<32x32xbf16>, vector<32x128xbf16>, vector<32x128xf32> -> vector<32x128xf32>
    %reduce_sum3A_345 = arith.constant dense<0.000000e+00> : vector<32xf32>
    %reduce_sum3A_346 = vector.multi_reduction <add>, %dot_general3A_344, %reduce_sum3A_345 [1] : vector<32x128xf32> to vector<32xf32>
    %broadcast_in_dim3A_347 = vector.shape_cast %reduce_sum3A_346 : vector<32xf32> to vector<32x1xf32>
    %add3A_348 = vector.broadcast %broadcast_in_dim3A_347 : vector<32x1xf32> to vector<32x128xf32>
    %add3A_349 = arith.addf %dot_general3A_342, %add3A_348 : vector<32x128xf32>
    %convert_element_type3A_350 = arith.extf %convert_element_type3A_340 : vector<32x128xbf16> to vector<32x128xf32>
    %reduce_sum3A_351 = vector.shape_cast %convert_element_type3A_350 : vector<32x128xf32> to vector<1x32x128xf32>
    %reduce_sum3A_352 = arith.constant dense<0.000000e+00> : vector<1xf32>
    %reduce_sum3A_353 = vector.multi_reduction <add>, %reduce_sum3A_351, %reduce_sum3A_352 [1, 2] : vector<1x32x128xf32> to vector<1xf32>
    %reduce_sum3A_354 = vector.shape_cast %reduce_sum3A_353 : vector<1xf32> to vector<1x1x1xf32>
    %reduce_sum3A_355 = vector.extract %reduce_sum3A_354[0, 0, 0] : f32 from vector<1x1x1xf32>
    %convert_element_type3A_356 = arith.fptosi %reduce_sum3A_355 : f32 to i32
    %convert_element_type3A_357 = arith.sitofp %add3A_310 : i32 to f32
    %add3A_358 = vector.broadcast %convert_element_type3A_357 : f32 to vector<32x128xf32>
    %add3A_359 = arith.addf %add3A_349, %add3A_358 : vector<32x128xf32>
    %jit3A_360 = arith.constant 0.000000e+00 : f32
    %broadcast_in_dim3A_361 = vector.broadcast %jit3A_360 : f32 to vector<32x128xf32>
    %select_n3A_362 = arith.select %eq3A_337, %add3A_359, %broadcast_in_dim3A_361 : vector<32x128xi1>, vector<32x128xf32>
    %add3A_363 = arith.addf %add3A_279, %select_n3A_362 : vector<32x128xf32>
    %add3A_364 = arith.constant 256 : i32
    %add3A_365 = arith.addi %convert_element_type3A_356, %add3A_364 : i32
    %sub3A_366 = arith.constant 1 : i32
    %sub3A_367 = arith.subi %add3A_365, %sub3A_366 : i32
    %jit3A_368 = arith.constant 256 : i32
    %div3A_369 = arith.divsi %sub3A_367, %jit3A_368 : i32
    %sign3A_370 = arith.constant 0 : i32
    %sign3A_371 = arith.cmpi sgt, %sub3A_367, %sign3A_370 : i32
    %sign3A_372 = arith.extui %sign3A_371 : i1 to i32
    %sign3A_373 = arith.constant 0 : i32
    %sign3A_374 = arith.cmpi slt, %sub3A_367, %sign3A_373 : i32
    %sign3A_375 = arith.extui %sign3A_374 : i1 to i32
    %sign3A_376 = arith.subi %sign3A_372, %sign3A_375 : i32
    %sign3A_377 = arith.constant 0 : i32
    %sign3A_378 = arith.cmpi sgt, %jit3A_368, %sign3A_377 : i32
    %sign3A_379 = arith.extui %sign3A_378 : i1 to i32
    %sign3A_380 = arith.constant 0 : i32
    %sign3A_381 = arith.cmpi slt, %jit3A_368, %sign3A_380 : i32
    %sign3A_382 = arith.extui %sign3A_381 : i1 to i32
    %sign3A_383 = arith.subi %sign3A_379, %sign3A_382 : i32
    %ne3A_384 = arith.cmpi ne, %sign3A_376, %sign3A_383 : i32
    %rem3A_385 = arith.remsi %sub3A_367, %jit3A_368 : i32
    %ne3A_386 = arith.constant 0 : i32
    %ne3A_387 = arith.cmpi ne, %rem3A_385, %ne3A_386 : i32
    %and3A_388 = arith.andi %ne3A_384, %ne3A_387 : i1
    %sub3A_389 = arith.constant 1 : i32
    %sub3A_390 = arith.subi %div3A_369, %sub3A_389 : i32
    %select_n3A_391 = arith.select %and3A_388, %sub3A_390, %div3A_369 : i32
    %mul3A_392 = arith.constant 256 : i32
    %mul3A_393 = arith.muli %select_n3A_391, %mul3A_392 : i32
    %add3A_394 = arith.addi %add3A_310, %mul3A_393 : i32
    %jit3A_395 = arith.constant 256 : i32
    %div3A_396 = arith.divsi %add3A_394, %jit3A_395 : i32
    %sign3A_397 = arith.constant 0 : i32
    %sign3A_398 = arith.cmpi sgt, %add3A_394, %sign3A_397 : i32
    %sign3A_399 = arith.extui %sign3A_398 : i1 to i32
    %sign3A_400 = arith.constant 0 : i32
    %sign3A_401 = arith.cmpi slt, %add3A_394, %sign3A_400 : i32
    %sign3A_402 = arith.extui %sign3A_401 : i1 to i32
    %sign3A_403 = arith.subi %sign3A_399, %sign3A_402 : i32
    %sign3A_404 = arith.constant 0 : i32
    %sign3A_405 = arith.cmpi sgt, %jit3A_395, %sign3A_404 : i32
    %sign3A_406 = arith.extui %sign3A_405 : i1 to i32
    %sign3A_407 = arith.constant 0 : i32
    %sign3A_408 = arith.cmpi slt, %jit3A_395, %sign3A_407 : i32
    %sign3A_409 = arith.extui %sign3A_408 : i1 to i32
    %sign3A_410 = arith.subi %sign3A_406, %sign3A_409 : i32
    %ne3A_411 = arith.cmpi ne, %sign3A_403, %sign3A_410 : i32
    %rem3A_412 = arith.remsi %add3A_394, %jit3A_395 : i32
    %ne3A_413 = arith.constant 0 : i32
    %ne3A_414 = arith.cmpi ne, %rem3A_412, %ne3A_413 : i32
    %and3A_415 = arith.andi %ne3A_411, %ne3A_414 : i1
    %sub3A_416 = arith.constant 1 : i32
    %sub3A_417 = arith.subi %div3A_396, %sub3A_416 : i32
    %select_n3A_418 = arith.select %and3A_415, %sub3A_417, %div3A_396 : i32
    %eq3A_419 = arith.constant 5 : i32
    %eq3A_420 = vector.broadcast %eq3A_419 : i32 to vector<32x128xi32>
    %eq3A_421 = arith.cmpi eq, %get3A_1, %eq3A_420 : vector<32x128xi32>
    %convert_element_type3A_422 = arith.extui %eq3A_421 : vector<32x128xi1> to vector<32x128xi32>
    %convert_element_type3A_423 = arith.sitofp %convert_element_type3A_422 : vector<32x128xi32> to vector<32x128xf32>
    %convert_element_type3A_424 = arith.truncf %convert_element_type3A_423 : vector<32x128xf32> to vector<32x128xbf16>
    %dot_general3A_425 = arith.constant dense<0.000000e+00> : vector<32x128xf32>
    %dot_general3A_426 = tpu.matmul %convert_element_type3A_424, %convert_element_type3A_4, %dot_general3A_425 {dimension_numbers = #tpu.dot_dimension_numbers<[1], [0], [0], [1], [0, 0, 1, 1], [], []>, transpose_lhs_hint = false} : vector<32x128xbf16>, vector<128x128xbf16>, vector<32x128xf32> -> vector<32x128xf32>
    %dot_general3A_427 = arith.constant dense<0.000000e+00> : vector<32x128xf32>
    %dot_general3A_428 = tpu.matmul %convert_element_type3A_9, %convert_element_type3A_424, %dot_general3A_427 {dimension_numbers = #tpu.dot_dimension_numbers<[1], [0], [0], [1], [0, 0, 1, 1], [], []>, transpose_lhs_hint = false} : vector<32x32xbf16>, vector<32x128xbf16>, vector<32x128xf32> -> vector<32x128xf32>
    %reduce_sum3A_429 = arith.constant dense<0.000000e+00> : vector<32xf32>
    %reduce_sum3A_430 = vector.multi_reduction <add>, %dot_general3A_428, %reduce_sum3A_429 [1] : vector<32x128xf32> to vector<32xf32>
    %broadcast_in_dim3A_431 = vector.shape_cast %reduce_sum3A_430 : vector<32xf32> to vector<32x1xf32>
    %add3A_432 = vector.broadcast %broadcast_in_dim3A_431 : vector<32x1xf32> to vector<32x128xf32>
    %add3A_433 = arith.addf %dot_general3A_426, %add3A_432 : vector<32x128xf32>
    %convert_element_type3A_434 = arith.extf %convert_element_type3A_424 : vector<32x128xbf16> to vector<32x128xf32>
    %reduce_sum3A_435 = vector.shape_cast %convert_element_type3A_434 : vector<32x128xf32> to vector<1x32x128xf32>
    %reduce_sum3A_436 = arith.constant dense<0.000000e+00> : vector<1xf32>
    %reduce_sum3A_437 = vector.multi_reduction <add>, %reduce_sum3A_435, %reduce_sum3A_436 [1, 2] : vector<1x32x128xf32> to vector<1xf32>
    %reduce_sum3A_438 = vector.shape_cast %reduce_sum3A_437 : vector<1xf32> to vector<1x1x1xf32>
    %reduce_sum3A_439 = vector.extract %reduce_sum3A_438[0, 0, 0] : f32 from vector<1x1x1xf32>
    %convert_element_type3A_440 = arith.fptosi %reduce_sum3A_439 : f32 to i32
    %convert_element_type3A_441 = arith.sitofp %add3A_394 : i32 to f32
    %add3A_442 = vector.broadcast %convert_element_type3A_441 : f32 to vector<32x128xf32>
    %add3A_443 = arith.addf %add3A_433, %add3A_442 : vector<32x128xf32>
    %jit3A_444 = arith.constant 0.000000e+00 : f32
    %broadcast_in_dim3A_445 = vector.broadcast %jit3A_444 : f32 to vector<32x128xf32>
    %select_n3A_446 = arith.select %eq3A_421, %add3A_443, %broadcast_in_dim3A_445 : vector<32x128xi1>, vector<32x128xf32>
    %add3A_447 = arith.addf %add3A_363, %select_n3A_446 : vector<32x128xf32>
    %add3A_448 = arith.constant 256 : i32
    %add3A_449 = arith.addi %convert_element_type3A_440, %add3A_448 : i32
    %sub3A_450 = arith.constant 1 : i32
    %sub3A_451 = arith.subi %add3A_449, %sub3A_450 : i32
    %jit3A_452 = arith.constant 256 : i32
    %div3A_453 = arith.divsi %sub3A_451, %jit3A_452 : i32
    %sign3A_454 = arith.constant 0 : i32
    %sign3A_455 = arith.cmpi sgt, %sub3A_451, %sign3A_454 : i32
    %sign3A_456 = arith.extui %sign3A_455 : i1 to i32
    %sign3A_457 = arith.constant 0 : i32
    %sign3A_458 = arith.cmpi slt, %sub3A_451, %sign3A_457 : i32
    %sign3A_459 = arith.extui %sign3A_458 : i1 to i32
    %sign3A_460 = arith.subi %sign3A_456, %sign3A_459 : i32
    %sign3A_461 = arith.constant 0 : i32
    %sign3A_462 = arith.cmpi sgt, %jit3A_452, %sign3A_461 : i32
    %sign3A_463 = arith.extui %sign3A_462 : i1 to i32
    %sign3A_464 = arith.constant 0 : i32
    %sign3A_465 = arith.cmpi slt, %jit3A_452, %sign3A_464 : i32
    %sign3A_466 = arith.extui %sign3A_465 : i1 to i32
    %sign3A_467 = arith.subi %sign3A_463, %sign3A_466 : i32
    %ne3A_468 = arith.cmpi ne, %sign3A_460, %sign3A_467 : i32
    %rem3A_469 = arith.remsi %sub3A_451, %jit3A_452 : i32
    %ne3A_470 = arith.constant 0 : i32
    %ne3A_471 = arith.cmpi ne, %rem3A_469, %ne3A_470 : i32
    %and3A_472 = arith.andi %ne3A_468, %ne3A_471 : i1
    %sub3A_473 = arith.constant 1 : i32
    %sub3A_474 = arith.subi %div3A_453, %sub3A_473 : i32
    %select_n3A_475 = arith.select %and3A_472, %sub3A_474, %div3A_453 : i32
    %mul3A_476 = arith.constant 256 : i32
    %mul3A_477 = arith.muli %select_n3A_475, %mul3A_476 : i32
    %add3A_478 = arith.addi %add3A_394, %mul3A_477 : i32
    %jit3A_479 = arith.constant 256 : i32
    %div3A_480 = arith.divsi %add3A_478, %jit3A_479 : i32
    %sign3A_481 = arith.constant 0 : i32
    %sign3A_482 = arith.cmpi sgt, %add3A_478, %sign3A_481 : i32
    %sign3A_483 = arith.extui %sign3A_482 : i1 to i32
    %sign3A_484 = arith.constant 0 : i32
    %sign3A_485 = arith.cmpi slt, %add3A_478, %sign3A_484 : i32
    %sign3A_486 = arith.extui %sign3A_485 : i1 to i32
    %sign3A_487 = arith.subi %sign3A_483, %sign3A_486 : i32
    %sign3A_488 = arith.constant 0 : i32
    %sign3A_489 = arith.cmpi sgt, %jit3A_479, %sign3A_488 : i32
    %sign3A_490 = arith.extui %sign3A_489 : i1 to i32
    %sign3A_491 = arith.constant 0 : i32
    %sign3A_492 = arith.cmpi slt, %jit3A_479, %sign3A_491 : i32
    %sign3A_493 = arith.extui %sign3A_492 : i1 to i32
    %sign3A_494 = arith.subi %sign3A_490, %sign3A_493 : i32
    %ne3A_495 = arith.cmpi ne, %sign3A_487, %sign3A_494 : i32
    %rem3A_496 = arith.remsi %add3A_478, %jit3A_479 : i32
    %ne3A_497 = arith.constant 0 : i32
    %ne3A_498 = arith.cmpi ne, %rem3A_496, %ne3A_497 : i32
    %and3A_499 = arith.andi %ne3A_495, %ne3A_498 : i1
    %sub3A_500 = arith.constant 1 : i32
    %sub3A_501 = arith.subi %div3A_480, %sub3A_500 : i32
    %select_n3A_502 = arith.select %and3A_499, %sub3A_501, %div3A_480 : i32
    %eq3A_503 = arith.constant 6 : i32
    %eq3A_504 = vector.broadcast %eq3A_503 : i32 to vector<32x128xi32>
    %eq3A_505 = arith.cmpi eq, %get3A_1, %eq3A_504 : vector<32x128xi32>
    %convert_element_type3A_506 = arith.extui %eq3A_505 : vector<32x128xi1> to vector<32x128xi32>
    %convert_element_type3A_507 = arith.sitofp %convert_element_type3A_506 : vector<32x128xi32> to vector<32x128xf32>
    %convert_element_type3A_508 = arith.truncf %convert_element_type3A_507 : vector<32x128xf32> to vector<32x128xbf16>
    %dot_general3A_509 = arith.constant dense<0.000000e+00> : vector<32x128xf32>
    %dot_general3A_510 = tpu.matmul %convert_element_type3A_508, %convert_element_type3A_4, %dot_general3A_509 {dimension_numbers = #tpu.dot_dimension_numbers<[1], [0], [0], [1], [0, 0, 1, 1], [], []>, transpose_lhs_hint = false} : vector<32x128xbf16>, vector<128x128xbf16>, vector<32x128xf32> -> vector<32x128xf32>
    %dot_general3A_511 = arith.constant dense<0.000000e+00> : vector<32x128xf32>
    %dot_general3A_512 = tpu.matmul %convert_element_type3A_9, %convert_element_type3A_508, %dot_general3A_511 {dimension_numbers = #tpu.dot_dimension_numbers<[1], [0], [0], [1], [0, 0, 1, 1], [], []>, transpose_lhs_hint = false} : vector<32x32xbf16>, vector<32x128xbf16>, vector<32x128xf32> -> vector<32x128xf32>
    %reduce_sum3A_513 = arith.constant dense<0.000000e+00> : vector<32xf32>
    %reduce_sum3A_514 = vector.multi_reduction <add>, %dot_general3A_512, %reduce_sum3A_513 [1] : vector<32x128xf32> to vector<32xf32>
    %broadcast_in_dim3A_515 = vector.shape_cast %reduce_sum3A_514 : vector<32xf32> to vector<32x1xf32>
    %add3A_516 = vector.broadcast %broadcast_in_dim3A_515 : vector<32x1xf32> to vector<32x128xf32>
    %add3A_517 = arith.addf %dot_general3A_510, %add3A_516 : vector<32x128xf32>
    %convert_element_type3A_518 = arith.extf %convert_element_type3A_508 : vector<32x128xbf16> to vector<32x128xf32>
    %reduce_sum3A_519 = vector.shape_cast %convert_element_type3A_518 : vector<32x128xf32> to vector<1x32x128xf32>
    %reduce_sum3A_520 = arith.constant dense<0.000000e+00> : vector<1xf32>
    %reduce_sum3A_521 = vector.multi_reduction <add>, %reduce_sum3A_519, %reduce_sum3A_520 [1, 2] : vector<1x32x128xf32> to vector<1xf32>
    %reduce_sum3A_522 = vector.shape_cast %reduce_sum3A_521 : vector<1xf32> to vector<1x1x1xf32>
    %reduce_sum3A_523 = vector.extract %reduce_sum3A_522[0, 0, 0] : f32 from vector<1x1x1xf32>
    %convert_element_type3A_524 = arith.fptosi %reduce_sum3A_523 : f32 to i32
    %convert_element_type3A_525 = arith.sitofp %add3A_478 : i32 to f32
    %add3A_526 = vector.broadcast %convert_element_type3A_525 : f32 to vector<32x128xf32>
    %add3A_527 = arith.addf %add3A_517, %add3A_526 : vector<32x128xf32>
    %jit3A_528 = arith.constant 0.000000e+00 : f32
    %broadcast_in_dim3A_529 = vector.broadcast %jit3A_528 : f32 to vector<32x128xf32>
    %select_n3A_530 = arith.select %eq3A_505, %add3A_527, %broadcast_in_dim3A_529 : vector<32x128xi1>, vector<32x128xf32>
    %add3A_531 = arith.addf %add3A_447, %select_n3A_530 : vector<32x128xf32>
    %add3A_532 = arith.constant 256 : i32
    %add3A_533 = arith.addi %convert_element_type3A_524, %add3A_532 : i32
    %sub3A_534 = arith.constant 1 : i32
    %sub3A_535 = arith.subi %add3A_533, %sub3A_534 : i32
    %jit3A_536 = arith.constant 256 : i32
    %div3A_537 = arith.divsi %sub3A_535, %jit3A_536 : i32
    %sign3A_538 = arith.constant 0 : i32
    %sign3A_539 = arith.cmpi sgt, %sub3A_535, %sign3A_538 : i32
    %sign3A_540 = arith.extui %sign3A_539 : i1 to i32
    %sign3A_541 = arith.constant 0 : i32
    %sign3A_542 = arith.cmpi slt, %sub3A_535, %sign3A_541 : i32
    %sign3A_543 = arith.extui %sign3A_542 : i1 to i32
    %sign3A_544 = arith.subi %sign3A_540, %sign3A_543 : i32
    %sign3A_545 = arith.constant 0 : i32
    %sign3A_546 = arith.cmpi sgt, %jit3A_536, %sign3A_545 : i32
    %sign3A_547 = arith.extui %sign3A_546 : i1 to i32
    %sign3A_548 = arith.constant 0 : i32
    %sign3A_549 = arith.cmpi slt, %jit3A_536, %sign3A_548 : i32
    %sign3A_550 = arith.extui %sign3A_549 : i1 to i32
    %sign3A_551 = arith.subi %sign3A_547, %sign3A_550 : i32
    %ne3A_552 = arith.cmpi ne, %sign3A_544, %sign3A_551 : i32
    %rem3A_553 = arith.remsi %sub3A_535, %jit3A_536 : i32
    %ne3A_554 = arith.constant 0 : i32
    %ne3A_555 = arith.cmpi ne, %rem3A_553, %ne3A_554 : i32
    %and3A_556 = arith.andi %ne3A_552, %ne3A_555 : i1
    %sub3A_557 = arith.constant 1 : i32
    %sub3A_558 = arith.subi %div3A_537, %sub3A_557 : i32
    %select_n3A_559 = arith.select %and3A_556, %sub3A_558, %div3A_537 : i32
    %mul3A_560 = arith.constant 256 : i32
    %mul3A_561 = arith.muli %select_n3A_559, %mul3A_560 : i32
    %add3A_562 = arith.addi %add3A_478, %mul3A_561 : i32
    %jit3A_563 = arith.constant 256 : i32
    %div3A_564 = arith.divsi %add3A_562, %jit3A_563 : i32
    %sign3A_565 = arith.constant 0 : i32
    %sign3A_566 = arith.cmpi sgt, %add3A_562, %sign3A_565 : i32
    %sign3A_567 = arith.extui %sign3A_566 : i1 to i32
    %sign3A_568 = arith.constant 0 : i32
    %sign3A_569 = arith.cmpi slt, %add3A_562, %sign3A_568 : i32
    %sign3A_570 = arith.extui %sign3A_569 : i1 to i32
    %sign3A_571 = arith.subi %sign3A_567, %sign3A_570 : i32
    %sign3A_572 = arith.constant 0 : i32
    %sign3A_573 = arith.cmpi sgt, %jit3A_563, %sign3A_572 : i32
    %sign3A_574 = arith.extui %sign3A_573 : i1 to i32
    %sign3A_575 = arith.constant 0 : i32
    %sign3A_576 = arith.cmpi slt, %jit3A_563, %sign3A_575 : i32
    %sign3A_577 = arith.extui %sign3A_576 : i1 to i32
    %sign3A_578 = arith.subi %sign3A_574, %sign3A_577 : i32
    %ne3A_579 = arith.cmpi ne, %sign3A_571, %sign3A_578 : i32
    %rem3A_580 = arith.remsi %add3A_562, %jit3A_563 : i32
    %ne3A_581 = arith.constant 0 : i32
    %ne3A_582 = arith.cmpi ne, %rem3A_580, %ne3A_581 : i32
    %and3A_583 = arith.andi %ne3A_579, %ne3A_582 : i1
    %sub3A_584 = arith.constant 1 : i32
    %sub3A_585 = arith.subi %div3A_564, %sub3A_584 : i32
    %select_n3A_586 = arith.select %and3A_583, %sub3A_585, %div3A_564 : i32
    %eq3A_587 = arith.constant 7 : i32
    %eq3A_588 = vector.broadcast %eq3A_587 : i32 to vector<32x128xi32>
    %eq3A_589 = arith.cmpi eq, %get3A_1, %eq3A_588 : vector<32x128xi32>
    %convert_element_type3A_590 = arith.extui %eq3A_589 : vector<32x128xi1> to vector<32x128xi32>
    %convert_element_type3A_591 = arith.sitofp %convert_element_type3A_590 : vector<32x128xi32> to vector<32x128xf32>
    %convert_element_type3A_592 = arith.truncf %convert_element_type3A_591 : vector<32x128xf32> to vector<32x128xbf16>
    %dot_general3A_593 = arith.constant dense<0.000000e+00> : vector<32x128xf32>
    %dot_general3A_594 = tpu.matmul %convert_element_type3A_592, %convert_element_type3A_4, %dot_general3A_593 {dimension_numbers = #tpu.dot_dimension_numbers<[1], [0], [0], [1], [0, 0, 1, 1], [], []>, transpose_lhs_hint = false} : vector<32x128xbf16>, vector<128x128xbf16>, vector<32x128xf32> -> vector<32x128xf32>
    %dot_general3A_595 = arith.constant dense<0.000000e+00> : vector<32x128xf32>
    %dot_general3A_596 = tpu.matmul %convert_element_type3A_9, %convert_element_type3A_592, %dot_general3A_595 {dimension_numbers = #tpu.dot_dimension_numbers<[1], [0], [0], [1], [0, 0, 1, 1], [], []>, transpose_lhs_hint = false} : vector<32x32xbf16>, vector<32x128xbf16>, vector<32x128xf32> -> vector<32x128xf32>
    %reduce_sum3A_597 = arith.constant dense<0.000000e+00> : vector<32xf32>
    %reduce_sum3A_598 = vector.multi_reduction <add>, %dot_general3A_596, %reduce_sum3A_597 [1] : vector<32x128xf32> to vector<32xf32>
    %broadcast_in_dim3A_599 = vector.shape_cast %reduce_sum3A_598 : vector<32xf32> to vector<32x1xf32>
    %add3A_600 = vector.broadcast %broadcast_in_dim3A_599 : vector<32x1xf32> to vector<32x128xf32>
    %add3A_601 = arith.addf %dot_general3A_594, %add3A_600 : vector<32x128xf32>
    %convert_element_type3A_602 = arith.extf %convert_element_type3A_592 : vector<32x128xbf16> to vector<32x128xf32>
    %reduce_sum3A_603 = vector.shape_cast %convert_element_type3A_602 : vector<32x128xf32> to vector<1x32x128xf32>
    %reduce_sum3A_604 = arith.constant dense<0.000000e+00> : vector<1xf32>
    %reduce_sum3A_605 = vector.multi_reduction <add>, %reduce_sum3A_603, %reduce_sum3A_604 [1, 2] : vector<1x32x128xf32> to vector<1xf32>
    %reduce_sum3A_606 = vector.shape_cast %reduce_sum3A_605 : vector<1xf32> to vector<1x1x1xf32>
    %reduce_sum3A_607 = vector.extract %reduce_sum3A_606[0, 0, 0] : f32 from vector<1x1x1xf32>
    %convert_element_type3A_608 = arith.fptosi %reduce_sum3A_607 : f32 to i32
    %convert_element_type3A_609 = arith.sitofp %add3A_562 : i32 to f32
    %add3A_610 = vector.broadcast %convert_element_type3A_609 : f32 to vector<32x128xf32>
    %add3A_611 = arith.addf %add3A_601, %add3A_610 : vector<32x128xf32>
    %jit3A_612 = arith.constant 0.000000e+00 : f32
    %broadcast_in_dim3A_613 = vector.broadcast %jit3A_612 : f32 to vector<32x128xf32>
    %select_n3A_614 = arith.select %eq3A_589, %add3A_611, %broadcast_in_dim3A_613 : vector<32x128xi1>, vector<32x128xf32>
    %add3A_615 = arith.addf %add3A_531, %select_n3A_614 : vector<32x128xf32>
    %add3A_616 = arith.constant 256 : i32
    %add3A_617 = arith.addi %convert_element_type3A_608, %add3A_616 : i32
    %sub3A_618 = arith.constant 1 : i32
    %sub3A_619 = arith.subi %add3A_617, %sub3A_618 : i32
    %jit3A_620 = arith.constant 256 : i32
    %div3A_621 = arith.divsi %sub3A_619, %jit3A_620 : i32
    %sign3A_622 = arith.constant 0 : i32
    %sign3A_623 = arith.cmpi sgt, %sub3A_619, %sign3A_622 : i32
    %sign3A_624 = arith.extui %sign3A_623 : i1 to i32
    %sign3A_625 = arith.constant 0 : i32
    %sign3A_626 = arith.cmpi slt, %sub3A_619, %sign3A_625 : i32
    %sign3A_627 = arith.extui %sign3A_626 : i1 to i32
    %sign3A_628 = arith.subi %sign3A_624, %sign3A_627 : i32
    %sign3A_629 = arith.constant 0 : i32
    %sign3A_630 = arith.cmpi sgt, %jit3A_620, %sign3A_629 : i32
    %sign3A_631 = arith.extui %sign3A_630 : i1 to i32
    %sign3A_632 = arith.constant 0 : i32
    %sign3A_633 = arith.cmpi slt, %jit3A_620, %sign3A_632 : i32
    %sign3A_634 = arith.extui %sign3A_633 : i1 to i32
    %sign3A_635 = arith.subi %sign3A_631, %sign3A_634 : i32
    %ne3A_636 = arith.cmpi ne, %sign3A_628, %sign3A_635 : i32
    %rem3A_637 = arith.remsi %sub3A_619, %jit3A_620 : i32
    %ne3A_638 = arith.constant 0 : i32
    %ne3A_639 = arith.cmpi ne, %rem3A_637, %ne3A_638 : i32
    %and3A_640 = arith.andi %ne3A_636, %ne3A_639 : i1
    %sub3A_641 = arith.constant 1 : i32
    %sub3A_642 = arith.subi %div3A_621, %sub3A_641 : i32
    %select_n3A_643 = arith.select %and3A_640, %sub3A_642, %div3A_621 : i32
    %mul3A_644 = arith.constant 256 : i32
    %mul3A_645 = arith.muli %select_n3A_643, %mul3A_644 : i32
    %add3A_646 = arith.addi %add3A_562, %mul3A_645 : i32
    %jit3A_647 = arith.constant 256 : i32
    %div3A_648 = arith.divsi %add3A_646, %jit3A_647 : i32
    %sign3A_649 = arith.constant 0 : i32
    %sign3A_650 = arith.cmpi sgt, %add3A_646, %sign3A_649 : i32
    %sign3A_651 = arith.extui %sign3A_650 : i1 to i32
    %sign3A_652 = arith.constant 0 : i32
    %sign3A_653 = arith.cmpi slt, %add3A_646, %sign3A_652 : i32
    %sign3A_654 = arith.extui %sign3A_653 : i1 to i32
    %sign3A_655 = arith.subi %sign3A_651, %sign3A_654 : i32
    %sign3A_656 = arith.constant 0 : i32
    %sign3A_657 = arith.cmpi sgt, %jit3A_647, %sign3A_656 : i32
    %sign3A_658 = arith.extui %sign3A_657 : i1 to i32
    %sign3A_659 = arith.constant 0 : i32
    %sign3A_660 = arith.cmpi slt, %jit3A_647, %sign3A_659 : i32
    %sign3A_661 = arith.extui %sign3A_660 : i1 to i32
    %sign3A_662 = arith.subi %sign3A_658, %sign3A_661 : i32
    %ne3A_663 = arith.cmpi ne, %sign3A_655, %sign3A_662 : i32
    %rem3A_664 = arith.remsi %add3A_646, %jit3A_647 : i32
    %ne3A_665 = arith.constant 0 : i32
    %ne3A_666 = arith.cmpi ne, %rem3A_664, %ne3A_665 : i32
    %and3A_667 = arith.andi %ne3A_663, %ne3A_666 : i1
    %sub3A_668 = arith.constant 1 : i32
    %sub3A_669 = arith.subi %div3A_648, %sub3A_668 : i32
    %select_n3A_670 = arith.select %and3A_667, %sub3A_669, %div3A_648 : i32
    %convert_element_type3A_671 = arith.fptosi %add3A_615 : vector<32x128xf32> to vector<32x128xi32>
    %swap3A = arith.constant 0 : index
    %swap3A_672 = arith.constant 0 : index
    %swap3A_673 = vector.load %arg1[%swap3A, %swap3A_672] : memref<32x128xi32, #tpu.memory_space<vmem>>, vector<32x128xi32>
    tpu.vector_store %arg1[%swap3A, %swap3A_672], %convert_element_type3A_671 {strides = array<i32>} : memref<32x128xi32, #tpu.memory_space<vmem>>, vector<32x128xi32>,
    %iota3A_674 = tpu.iota {dimensions = array<i32: 1>} : vector<1x128xi32>
    %broadcast_in_dim3A_675 = arith.constant 0 : i32
    %broadcast_in_dim3A_676 = vector.broadcast %broadcast_in_dim3A_675 : i32 to vector<1x128xi32>
    %ge3A = vector.broadcast %select_n3A_82 : i32 to vector<1x128xi32>
    %ge3A_677 = arith.cmpi sge, %iota3A_674, %ge3A : vector<1x128xi32>
    %convert_element_type3A_678 = arith.extui %ge3A_677 : vector<1x128xi1> to vector<1x128xi32>
    %add3A_679 = arith.addi %broadcast_in_dim3A_676, %convert_element_type3A_678 : vector<1x128xi32>
    %ge3A_680 = vector.broadcast %select_n3A_166 : i32 to vector<1x128xi32>
    %ge3A_681 = arith.cmpi sge, %iota3A_674, %ge3A_680 : vector<1x128xi32>
    %convert_element_type3A_682 = arith.extui %ge3A_681 : vector<1x128xi1> to vector<1x128xi32>
    %add3A_683 = arith.addi %add3A_679, %convert_element_type3A_682 : vector<1x128xi32>
    %ge3A_684 = vector.broadcast %select_n3A_250 : i32 to vector<1x128xi32>
    %ge3A_685 = arith.cmpi sge, %iota3A_674, %ge3A_684 : vector<1x128xi32>
    %convert_element_type3A_686 = arith.extui %ge3A_685 : vector<1x128xi1> to vector<1x128xi32>
    %add3A_687 = arith.addi %add3A_683, %convert_element_type3A_686 : vector<1x128xi32>
    %ge3A_688 = vector.broadcast %select_n3A_334 : i32 to vector<1x128xi32>
    %ge3A_689 = arith.cmpi sge, %iota3A_674, %ge3A_688 : vector<1x128xi32>
    %convert_element_type3A_690 = arith.extui %ge3A_689 : vector<1x128xi1> to vector<1x128xi32>
    %add3A_691 = arith.addi %add3A_687, %convert_element_type3A_690 : vector<1x128xi32>
    %ge3A_692 = vector.broadcast %select_n3A_418 : i32 to vector<1x128xi32>
    %ge3A_693 = arith.cmpi sge, %iota3A_674, %ge3A_692 : vector<1x128xi32>
    %convert_element_type3A_694 = arith.extui %ge3A_693 : vector<1x128xi1> to vector<1x128xi32>
    %add3A_695 = arith.addi %add3A_691, %convert_element_type3A_694 : vector<1x128xi32>
    %ge3A_696 = vector.broadcast %select_n3A_502 : i32 to vector<1x128xi32>
    %ge3A_697 = arith.cmpi sge, %iota3A_674, %ge3A_696 : vector<1x128xi32>
    %convert_element_type3A_698 = arith.extui %ge3A_697 : vector<1x128xi1> to vector<1x128xi32>
    %add3A_699 = arith.addi %add3A_695, %convert_element_type3A_698 : vector<1x128xi32>
    %ge3A_700 = vector.broadcast %select_n3A_586 : i32 to vector<1x128xi32>
    %ge3A_701 = arith.cmpi sge, %iota3A_674, %ge3A_700 : vector<1x128xi32>
    %convert_element_type3A_702 = arith.extui %ge3A_701 : vector<1x128xi1> to vector<1x128xi32>
    %add3A_703 = arith.addi %add3A_699, %convert_element_type3A_702 : vector<1x128xi32>
    %ge3A_704 = vector.broadcast %select_n3A_670 : i32 to vector<1x128xi32>
    %ge3A_705 = arith.cmpi sge, %iota3A_674, %ge3A_704 : vector<1x128xi32>
    %convert_element_type3A_706 = arith.extui %ge3A_705 : vector<1x128xi1> to vector<1x128xi32>
    %add3A_707 = arith.addi %add3A_703, %convert_element_type3A_706 : vector<1x128xi32>
    %min3A = arith.constant 7 : i32
    %min3A_708 = vector.broadcast %min3A : i32 to vector<1x128xi32>
    %min3A_709 = arith.minsi %add3A_707, %min3A_708 : vector<1x128xi32>
    %swap3A_710 = arith.constant 0 : index
    %swap3A_711 = arith.constant 0 : index
    %swap3A_712 = vector.load %arg2[%swap3A_710, %swap3A_711] : memref<1x128xi32, #tpu.memory_space<vmem>>, vector<1x128xi32>
    tpu.vector_store %arg2[%swap3A_710, %swap3A_711], %min3A_709 {strides = array<i32>} : memref<1x128xi32, #tpu.memory_space<vmem>>, vector<1x128xi32>,
    return
  }
}

module attributes {stable_mosaic.version = 14 : i64} {
  func.func @_mlp_kernel(%arg0: i32, %arg1: memref<24xi32, #tpu.memory_space<smem>>, %arg2: memref<256x384xf32, #tpu.memory_space<vmem>>, %arg3: memref<1x320x512xf32, #tpu.memory_space<vmem>>, %arg4: memref<1x1x512xf32, #tpu.memory_space<vmem>>, %arg5: memref<1x512x512xf32, #tpu.memory_space<vmem>>, %arg6: memref<1x1x512xf32, #tpu.memory_space<vmem>>, %arg7: memref<1x512x256xf32, #tpu.memory_space<vmem>>, %arg8: memref<1x1x256xf32, #tpu.memory_space<vmem>>, %arg9: memref<256x256xf32, #tpu.memory_space<vmem>>) attributes {dimension_semantics = [#tpu.dimension_semantics<arbitrary>], iteration_bounds = array<i64: 24>, scalar_prefetch = 1 : i64, scratch_operands = 0 : i64, tpu.core_type = #tpu.core_type<tc>, window_params = [{transform_indices = @transform_0, window_bounds = array<i64: 256, 384>}, {transform_indices = @transform_1, window_bounds = array<i64: 1, 320, 512>}, {transform_indices = @transform_2, window_bounds = array<i64: 1, 1, 512>}, {transform_indices = @transform_3, window_bounds = array<i64: 1, 512, 512>}, {transform_indices = @transform_4, window_bounds = array<i64: 1, 1, 512>}, {transform_indices = @transform_5, window_bounds = array<i64: 1, 512, 256>}, {transform_indices = @transform_6, window_bounds = array<i64: 1, 1, 256>}, {transform_indices = @transform_7, window_bounds = array<i64: 256, 256>}]} {
    %get3A = arith.constant 0 : index
    %get3A_0 = arith.constant 0 : index
    %get3A_1 = vector.load %arg2[%get3A, %get3A_0] : memref<256x384xf32, #tpu.memory_space<vmem>>, vector<256x384xf32>
    %convert_element_type3A = arith.truncf %get3A_1 : vector<256x384xf32> to vector<256x384xbf16>
    %slice3A = vector.extract_strided_slice %convert_element_type3A {offsets = [0, 0], sizes = [256, 320], strides = [1, 1]} : vector<256x384xbf16> to vector<256x320xbf16>
    %get3A_2 = arith.constant 0 : index
    %get3A_3 = arith.constant 0 : index
    %get3A_4 = arith.constant 0 : index
    %get3A_5 = vector.load %arg3[%get3A_2, %get3A_3, %get3A_4] : memref<1x320x512xf32, #tpu.memory_space<vmem>>, vector<1x320x512xf32>
    %get3A_6 = vector.shape_cast %get3A_5 : vector<1x320x512xf32> to vector<320x512xf32>
    %convert_element_type3A_7 = arith.truncf %get3A_6 : vector<320x512xf32> to vector<320x512xbf16>
    %dot_general3A = arith.constant dense<0.000000e+00> : vector<256x512xf32>
    %dot_general3A_8 = tpu.matmul %slice3A, %convert_element_type3A_7, %dot_general3A {dimension_numbers = #tpu.dot_dimension_numbers<[1], [0], [0], [1], [0, 0, 1, 1], [], []>, transpose_lhs_hint = false} : vector<256x320xbf16>, vector<320x512xbf16>, vector<256x512xf32> -> vector<256x512xf32>
    %get3A_9 = arith.constant 0 : index
    %get3A_10 = arith.constant 0 : index
    %get3A_11 = arith.constant 0 : index
    %get3A_12 = vector.load %arg4[%get3A_9, %get3A_10, %get3A_11] : memref<1x1x512xf32, #tpu.memory_space<vmem>>, vector<1x1x512xf32>
    %get3A_13 = vector.shape_cast %get3A_12 : vector<1x1x512xf32> to vector<512xf32>
    %broadcast_in_dim3A = vector.shape_cast %get3A_13 : vector<512xf32> to vector<1x512xf32>
    %add3A = vector.broadcast %broadcast_in_dim3A : vector<1x512xf32> to vector<256x512xf32>
    %add3A_14 = arith.addf %dot_general3A_8, %add3A : vector<256x512xf32>
    %max3A = arith.constant 0.000000e+00 : f32
    %max3A_15 = vector.broadcast %max3A : f32 to vector<256x512xf32>
    %max3A_16 = arith.maximumf %add3A_14, %max3A_15 : vector<256x512xf32>
    %convert_element_type3A_17 = arith.truncf %max3A_16 : vector<256x512xf32> to vector<256x512xbf16>
    %get3A_18 = arith.constant 0 : index
    %get3A_19 = arith.constant 0 : index
    %get3A_20 = arith.constant 0 : index
    %get3A_21 = vector.load %arg5[%get3A_18, %get3A_19, %get3A_20] : memref<1x512x512xf32, #tpu.memory_space<vmem>>, vector<1x512x512xf32>
    %get3A_22 = vector.shape_cast %get3A_21 : vector<1x512x512xf32> to vector<512x512xf32>
    %convert_element_type3A_23 = arith.truncf %get3A_22 : vector<512x512xf32> to vector<512x512xbf16>
    %dot_general3A_24 = arith.constant dense<0.000000e+00> : vector<256x512xf32>
    %dot_general3A_25 = tpu.matmul %convert_element_type3A_17, %convert_element_type3A_23, %dot_general3A_24 {dimension_numbers = #tpu.dot_dimension_numbers<[1], [0], [0], [1], [0, 0, 1, 1], [], []>, transpose_lhs_hint = false} : vector<256x512xbf16>, vector<512x512xbf16>, vector<256x512xf32> -> vector<256x512xf32>
    %get3A_26 = arith.constant 0 : index
    %get3A_27 = arith.constant 0 : index
    %get3A_28 = arith.constant 0 : index
    %get3A_29 = vector.load %arg6[%get3A_26, %get3A_27, %get3A_28] : memref<1x1x512xf32, #tpu.memory_space<vmem>>, vector<1x1x512xf32>
    %get3A_30 = vector.shape_cast %get3A_29 : vector<1x1x512xf32> to vector<512xf32>
    %broadcast_in_dim3A_31 = vector.shape_cast %get3A_30 : vector<512xf32> to vector<1x512xf32>
    %add3A_32 = vector.broadcast %broadcast_in_dim3A_31 : vector<1x512xf32> to vector<256x512xf32>
    %add3A_33 = arith.addf %dot_general3A_25, %add3A_32 : vector<256x512xf32>
    %max3A_34 = arith.constant 0.000000e+00 : f32
    %max3A_35 = vector.broadcast %max3A_34 : f32 to vector<256x512xf32>
    %max3A_36 = arith.maximumf %add3A_33, %max3A_35 : vector<256x512xf32>
    %convert_element_type3A_37 = arith.truncf %max3A_36 : vector<256x512xf32> to vector<256x512xbf16>
    %get3A_38 = arith.constant 0 : index
    %get3A_39 = arith.constant 0 : index
    %get3A_40 = arith.constant 0 : index
    %get3A_41 = vector.load %arg7[%get3A_38, %get3A_39, %get3A_40] : memref<1x512x256xf32, #tpu.memory_space<vmem>>, vector<1x512x256xf32>
    %get3A_42 = vector.shape_cast %get3A_41 : vector<1x512x256xf32> to vector<512x256xf32>
    %convert_element_type3A_43 = arith.truncf %get3A_42 : vector<512x256xf32> to vector<512x256xbf16>
    %dot_general3A_44 = arith.constant dense<0.000000e+00> : vector<256x256xf32>
    %dot_general3A_45 = tpu.matmul %convert_element_type3A_37, %convert_element_type3A_43, %dot_general3A_44 {dimension_numbers = #tpu.dot_dimension_numbers<[1], [0], [0], [1], [0, 0, 1, 1], [], []>, transpose_lhs_hint = false} : vector<256x512xbf16>, vector<512x256xbf16>, vector<256x256xf32> -> vector<256x256xf32>
    %get3A_46 = arith.constant 0 : index
    %get3A_47 = arith.constant 0 : index
    %get3A_48 = arith.constant 0 : index
    %get3A_49 = vector.load %arg8[%get3A_46, %get3A_47, %get3A_48] : memref<1x1x256xf32, #tpu.memory_space<vmem>>, vector<1x1x256xf32>
    %get3A_50 = vector.shape_cast %get3A_49 : vector<1x1x256xf32> to vector<256xf32>
    %broadcast_in_dim3A_51 = vector.shape_cast %get3A_50 : vector<256xf32> to vector<1x256xf32>
    %add3A_52 = vector.broadcast %broadcast_in_dim3A_51 : vector<1x256xf32> to vector<256x256xf32>
    %add3A_53 = arith.addf %dot_general3A_45, %add3A_52 : vector<256x256xf32>
    %swap3A = arith.constant 0 : index
    %swap3A_54 = arith.constant 0 : index
    %swap3A_55 = vector.load %arg9[%swap3A, %swap3A_54] : memref<256x256xf32, #tpu.memory_space<vmem>>, vector<256x256xf32>
    tpu.vector_store %arg9[%swap3A, %swap3A_54], %add3A_53 {strides = array<i32>} : memref<256x256xf32, #tpu.memory_space<vmem>>, vector<256x256xf32>,
    return
  }
  func.func @transform_0(%arg0: i32, %arg1: memref<24xi32, #tpu.memory_space<smem>>) -> (i32, i32) {
    %c0_i32 = arith.constant 0 : i32
    %c0_i32_0 = arith.constant 0 : i32
    return %arg0, %c0_i32 : i32, i32
  }
  func.func @transform_1(%arg0: i32, %arg1: memref<24xi32, #tpu.memory_space<smem>>) -> (i32, i32, i32) {
    %get3A = arith.index_cast %arg0 : i32 to index
    %get3A_0 = memref.load %arg1[%get3A] : memref<24xi32, #tpu.memory_space<smem>>
    %c0_i32 = arith.constant 0 : i32
    %c0_i32_1 = arith.constant 0 : i32
    %c0_i32_2 = arith.constant 0 : i32
    return %get3A_0, %c0_i32, %c0_i32_1 : i32, i32, i32
  }
  func.func @transform_2(%arg0: i32, %arg1: memref<24xi32, #tpu.memory_space<smem>>) -> (i32, i32, i32) {
    %get3A = arith.index_cast %arg0 : i32 to index
    %get3A_0 = memref.load %arg1[%get3A] : memref<24xi32, #tpu.memory_space<smem>>
    %c0_i32 = arith.constant 0 : i32
    %c0_i32_1 = arith.constant 0 : i32
    %c0_i32_2 = arith.constant 0 : i32
    return %get3A_0, %c0_i32, %c0_i32_1 : i32, i32, i32
  }
  func.func @transform_3(%arg0: i32, %arg1: memref<24xi32, #tpu.memory_space<smem>>) -> (i32, i32, i32) {
    %get3A = arith.index_cast %arg0 : i32 to index
    %get3A_0 = memref.load %arg1[%get3A] : memref<24xi32, #tpu.memory_space<smem>>
    %c0_i32 = arith.constant 0 : i32
    %c0_i32_1 = arith.constant 0 : i32
    %c0_i32_2 = arith.constant 0 : i32
    return %get3A_0, %c0_i32, %c0_i32_1 : i32, i32, i32
  }
  func.func @transform_4(%arg0: i32, %arg1: memref<24xi32, #tpu.memory_space<smem>>) -> (i32, i32, i32) {
    %get3A = arith.index_cast %arg0 : i32 to index
    %get3A_0 = memref.load %arg1[%get3A] : memref<24xi32, #tpu.memory_space<smem>>
    %c0_i32 = arith.constant 0 : i32
    %c0_i32_1 = arith.constant 0 : i32
    %c0_i32_2 = arith.constant 0 : i32
    return %get3A_0, %c0_i32, %c0_i32_1 : i32, i32, i32
  }
  func.func @transform_5(%arg0: i32, %arg1: memref<24xi32, #tpu.memory_space<smem>>) -> (i32, i32, i32) {
    %get3A = arith.index_cast %arg0 : i32 to index
    %get3A_0 = memref.load %arg1[%get3A] : memref<24xi32, #tpu.memory_space<smem>>
    %c0_i32 = arith.constant 0 : i32
    %c0_i32_1 = arith.constant 0 : i32
    %c0_i32_2 = arith.constant 0 : i32
    return %get3A_0, %c0_i32, %c0_i32_1 : i32, i32, i32
  }
  func.func @transform_6(%arg0: i32, %arg1: memref<24xi32, #tpu.memory_space<smem>>) -> (i32, i32, i32) {
    %get3A = arith.index_cast %arg0 : i32 to index
    %get3A_0 = memref.load %arg1[%get3A] : memref<24xi32, #tpu.memory_space<smem>>
    %c0_i32 = arith.constant 0 : i32
    %c0_i32_1 = arith.constant 0 : i32
    %c0_i32_2 = arith.constant 0 : i32
    return %get3A_0, %c0_i32, %c0_i32_1 : i32, i32, i32
  }
  func.func @transform_7(%arg0: i32, %arg1: memref<24xi32, #tpu.memory_space<smem>>) -> (i32, i32) {
    %c0_i32 = arith.constant 0 : i32
    %c0_i32_0 = arith.constant 0 : i32
    return %arg0, %c0_i32 : i32, i32
  }
}

</mosaic_0001>

<sc_bundles>
// kernel: kernel.6.cloned.1.call-start
scs
__scs_entry_jumppad:
0x0: {  	(pc) =	sbr.rel $0x88, $3  }
0x1: {  	(tag) =	ssettag $0x0;
	lr =	simm.s32 $0x1  }
0x2: {  	[smem:$0x3F98] =	sst lr;
	_ =	strace $0xD0000000  }
0x3: {  	_ = 	snop  }
0x4: {  	_ = 	snop  }
0x5: {  	_ = 	snop  }
0x6: {  	_ = 	snop  }
0x7: {  	_ = 	snop  }
__scs_overlays_trampoline_lowered:
0x8: {  	[smem:$0x3FA7] =	sst s0  }
0x9: {  	[smem:$0x3FA8] =	sst s1  }
0xa: {  	[smem:$0x3FA9] =	sst s2  }
0xb: {  	[smem:$0x3FAA] =	sst s3  }
0xc: {  	[smem:$0x3FAB] =	sst s4  }
0xd: {  	[smem:$0x3FAC] =	sst s5  }
0xe: {  	[smem:$0x3FAD] =	sst s6  }
0xf: {  	[smem:$0x3FAE] =	sst s7  }
0x10: {  	[smem:$0x3FAF] =	sst s8  }
0x11: {  	[smem:$0x3FB0] =	sst s9;
	s0 =	simm.s32 @!p0 $0x0  }
0x12: {  	s1 =	sld [smem:$0x3F96];
	s0 =	simm.s32 @p0 $0x1  }
0x13: {  	[smem:$0x3FB1] =	sst s0;
	s0 =	simm.s32 @!p1 $0x0  }
0x14: {  	s2 =	sld [smem:$0x3F95];
	s0 =	simm.s32 @p1 $0x1  }
0x15: {  	[smem:$0x3FB2] =	sst s0;
	s0 =	simm.s32 @!p2 $0x0  }
0x16: {  	s3 =	sld [smem:$0x3FDB];
	s0 =	simm.s32 @p2 $0x1  }
0x17: {  	s4 =	simm.s32 $0x1BF5;
	[smem:$0x3FB4] =	sst s0  }
0x18: {  	s0 =	sld [smem:$0x3F97];
	_ =	swait.ge [sflag:s4], $0x0  }
0x19: {  	s7 =	sld [smem:$0x3F98]  }
0x1a: {  	s8 =	sadd.s32 $0xFFFFE003, lr  }
0x1b: {  	s9 =	sadd.s32 $0xFFFFFEF7, lr;
	s5 =	simm.s32 $0xFFFFFFFF;
	p2 =	slt.u32 s8, $0xFFFFF086  }
0x1c: {  	p1 =	slt.u32 s9, $0xF7A;
	s5 =	simm.s32 @!p2 $0x0  }
0x1d: {  	s5 =	simm.s32 @p1 $0x1;
	p0 =	seq.s32 s7, s2  }
0x1e: {  	s7 =	smul.u32 @!p0 $0xF7A, s2;
	p2 =	seq.s32 @!p0 s5, $0x0  }
0x1f: {  	s9 =	smul.u32 $0xF7A, s1;
	s8 =	simm.s32 @!p0 $0x1BF5;
	p2 =	por !p2, p0  }
0x20: {  	[sflag:s8] =	ssyncset.s32 @!p0 $0xFFFFF086;
	s6 =	sadd.s32 @!p0 s3, s7;
	s7 =	simm.s32 @!p0 $0x108  }
0x21: {  	s3 =	sadd.s32 s3, s9;
	s6 =	sadd.s32 @!p0 $0x88, s6;
	s7 =	simm.s32 @p2 $0x1082  }
0x22: {  	[simem:s7], [sflag:s8] =	dma.local @!p0 [hbm:s6], $0xF7A  }
0x23: {  	s9 =	sor.u32 $0xD0000000, s2;
	s6 =	simm.s32 $0x108;
	_ =	swait.ge @!p0 [sflag:s8], $0x0  }
0x24: {  	s3 =	sadd.s32 $0x88, s3;
	s6 =	simm.s32 @!p1 $0x1082;
	[sflag:s4] =	ssyncset.s32 $0xFFFFF086  }
0x25: {  	[simem:s6], [sflag:s4] =	dma.local [hbm:s3], $0xF7A  }
0x26: {  	[smem:$0x3F98] =	sst s1;
	(tag) =	ssettag s2;
	_ =	strace s9  }
0x27: {  	s1 =	sld [smem:$0x3FA8]  }
0x28: {  	s2 =	sld [smem:$0x3FA9]  }
0x29: {  	s4 =	sld [smem:$0x3FAB]  }
0x2a: {  	p0 =	seq.s32 s5, $0x0;
	s5 =	sld [smem:$0x3FAC]  }
0x2b: {  	s6 =	sld [smem:$0x3FAD]  }
0x2c: {  	s7 =	sld [smem:$0x3FAE]  }
0x2d: {  	s3 =	simm.s32 $0x108;
	s8 =	sld [smem:$0x3FAF]  }
0x2e: {  	s3 =	simm.s32 @!p0 $0x1082;
	s9 =	sld [smem:$0x3FB0]  }
0x2f: {  	lr =	sadd.s32 s0, s3;
	s0 =	sld [smem:$0x3FA7]  }
0x30: {  	s3 =	sld [smem:$0x3FAA]  }
0x31: {  	[smem:$0x3FB3] =	sst s10  }
0x32: {  	s10 =	sld [smem:$0x3FB1];
	_ =	sdelay $0x3  }
0x33: {  	p0 =	seq.s32 s10, $0x1;
	s10 =	sld [smem:$0x3FB3];
	_ =	sdelay $0x3  }
0x34: {  	[smem:$0x3FB3] =	sst s10  }
0x35: {  	s10 =	sld [smem:$0x3FB2];
	_ =	sdelay $0x3  }
0x36: {  	p1 =	seq.s32 s10, $0x1;
	s10 =	sld [smem:$0x3FB3];
	_ =	sdelay $0x3  }
0x37: {  	[smem:$0x3FB3] =	sst s10  }
0x38: {  	s10 =	sld [smem:$0x3FB4]  }
0x39: {  	_ = 	snop;
	(pc) =	sbr.ind lr, $3  }
0x3a: {  	_ = 	snop  }
0x3b: {  	_ = 	snop  }
0x3c: {  	p2 =	seq.s32 s10, $0x1;
	s10 =	sld [smem:$0x3FB3]  }
0x3d: {  	_ =	shalt  }
0x3e: {  	_ =	shalt  }
0x3f: {  	_ =	shalt  }
0x40: {  	_ =	shalt  }
0x41: {  	_ =	shalt  }
0x42: {  	_ =	shalt  }
0x43: {  	_ =	shalt  }
0x44: {  	_ =	shalt  }
0x45: {  	_ =	shalt  }
0x46: {  	_ =	shalt  }
0x47: {  	_ =	shalt  }
0x48: {  	_ =	shalt  }
0x49: {  	_ =	shalt  }
0x4a: {  	_ =	shalt  }
0x4b: {  	_ =	shalt  }
0x4c: {  	_ =	shalt  }
0x4d: {  	_ =	shalt  }
0x4e: {  	_ =	shalt  }
0x4f: {  	_ =	shalt  }
0x50: {  	_ =	shalt  }
0x51: {  	_ =	shalt  }
0x52: {  	_ =	shalt  }
0x53: {  	_ =	shalt  }
0x54: {  	_ =	shalt  }
0x55: {  	_ =	shalt  }
0x56: {  	_ =	shalt  }
0x57: {  	_ =	shalt  }
0x58: {  	_ =	shalt  }
0x59: {  	_ =	shalt  }
0x5a: {  	_ =	shalt  }
0x5b: {  	_ =	shalt  }
0x5c: {  	_ =	shalt  }
0x5d: {  	_ =	shalt  }
0x5e: {  	_ =	shalt  }
0x5f: {  	_ =	shalt  }
0x60: {  	_ =	shalt  }
0x61: {  	_ =	shalt  }
0x62: {  	_ =	shalt  }
0x63: {  	_ =	shalt  }
0x64: {  	_ =	shalt  }
0x65: {  	_ =	shalt  }
0x66: {  	_ =	shalt  }
0x67: {  	_ =	shalt  }
0x68: {  	_ =	shalt  }
0x69: {  	_ =	shalt  }
0x6a: {  	_ =	shalt  }
0x6b: {  	_ =	shalt  }
0x6c: {  	_ =	shalt  }
0x6d: {  	_ =	shalt  }
0x6e: {  	_ =	shalt  }
0x6f: {  	_ =	shalt  }
0x70: {  	_ =	shalt  }
0x71: {  	_ =	shalt  }
0x72: {  	_ =	shalt  }
0x73: {  	_ =	shalt  }
0x74: {  	_ =	shalt  }
0x75: {  	_ =	shalt  }
0x76: {  	_ =	shalt  }
0x77: {  	_ =	shalt  }
0x78: {  	_ =	shalt  }
0x79: {  	_ =	shalt  }
0x7a: {  	_ =	shalt  }
0x7b: {  	_ =	shalt  }
0x7c: {  	_ =	shalt  }
0x7d: {  	_ =	shalt  }
0x7e: {  	_ =	shalt  }
0x7f: {  	_ =	shalt  }
0x80: {  	_ =	shalt  }
0x81: {  	_ =	shalt  }
0x82: {  	_ =	shalt  }
0x83: {  	_ =	shalt  }
0x84: {  	_ =	shalt  }
0x85: {  	_ =	shalt  }
0x86: {  	_ =	shalt  }
0x87: {  	_ =	shalt  }
.Lfunc_end0:
.L_simem_size_0:
called_computation_lowered:
.L_overlay_start_0:
0x88: {  	s2 =	sld [smem:$0x3FD9]  }
0x89: {  	s3 =	sld [smem:$0x3FFE];
	_ =	sdelay $0x1  }
0x8a: {  	s1 =	srdreg.scid  }
0x8b: {  	s0 =	sand.u32 $0x1, s1  }
0x8c: {  	s16 =	sshll.u32 s0, $0xA;
	s2 =	sadd.s32 s3, s2  }
0x8d: {  	s2 =	sadd.s32 s2, s16  }
0x8e: {  	[smem:$0x3FBF] =	sst s2  }
0x8f: {  	_ = 	snop  }
0x90: {  	(tm) =	ssettm $0x1  }
0x91: {  	s17 =	sld [smem:$0x3FFB];
	_ =	sdelay $0x3  }
0x92: {  	_ =	strace s17  }
0x93: {  	s2 =	sld [smem:$0x3FFC];
	_ =	sdelay $0x3  }
0x94: {  	_ =	strace s2  }
0x95: {  	s2 =	sld [smem:$0x3FFD];
	_ =	sdelay $0x3  }
0x96: {  	_ =	strace s2  }
0x97: {  	_ =	strace $0x8FFFFFFF  }
0x98: {  	s18 =	sld [smem:$0x3FDB];
	_ =	sdelay $0x1  }
0x99: {  	s19 =	simm.s32 $_scs_section_size  }
0x9a: {  	s4 =	simm.s32 $_size__tile_overlayer_lowered;
	s5 =	simm.s32 $_tile_overlayer_lowered  }
0x9b: {  	s22 =	simm.s32 $0x1BFF;
	s21 =	sshll.u32 s5, $0x1;
	s2 =	sadd.s32 s19, s18  }
0x9c: {  	s6 =	simm.s32 $0x0;
	s20 =	sshll.u32 s4, $0x1;
	s4 =	sadd.s32 s21, s2  }
0x9d: {  	[timem:s6], [sflag:s22] =	dma.local [hbm:s4], s20  }
0x9e: {  	_ =	swait.ge [sflag:s22], s20  }
0x9f: {  	s3 =	ssub.s32 $0x0, s20;
	[sflag:s22] =	ssyncset.done $0x0  }
0xa0: {  	[sflag:s22] =	ssyncadd.s32 s3;
	_ =	sdelay $0x1  }
0xa1: {  	s23 =	simm.s32 $0x1B8B  }
0xa2: {  	_ =	swait.ge [sflag:s23], $0x1  }
0xa3: {  	[sflag:s23] =	ssyncset.done $0x0  }
0xa4: {  	s25 =	simm.s32 $0x1B8E;
	s24 =	sld [smem:$0x3FFE];
	[sflag:s23] =	ssyncadd.s32 $0xFFFFFFFF  }
0xa5: {  	s26 =	simm.s32 $execute0_lowered;
	[smem:$0x3FD2] =	sst s25  }
0xa6: {  	s4 =	sshll.u32 s26, $0x1;
	_ =	strace $0x80000046;
	[dreg:$0x1] =	wrdreg $0xFFFFFFFF  }
0xa7: {  	s28 =	simm.s32 $_size_execute0_lowered;
	s2 =	sadd.s32 s2, s4;
	[dreg:$0x0] =	wrdreg $0x0  }
0xa8: {  	s4 =	sshll.u32 s28, $0x1;
	[dreg:$0x2] =	wrdreg s2  }
0xa9: {  	[dreg:$0x3] =	wrdreg s4  }
0xaa: {  	[dreg:$0x4] =	wrdreg $0xC0  }
0xab: {  	_ =	task [dreg:s6], $0x5FFFF  }
0xac: {  	[dreg:$0x1] =	wrdreg $0xFFFFFFFF  }
0xad: {  	[dreg:$0x0] =	wrdreg $0x60  }
0xae: {  	[dreg:$0x2] =	wrdreg s24  }
0xaf: {  	[dreg:$0x3] =	wrdreg $0x9  }
0xb0: {  	_ =	task.clear_ibuf [dreg:s6], $0x4FFFF;
	_ =	strace $0x90000046  }
0xb1: {  	s29 =	simm.s32 $0x9;
	_ =	strace $0x8000004C  }
0xb2: {  	_ =	swait.ge [sflag:s29], $0x1  }
0xb3: {  	[sflag:s29] =	ssyncadd.s32 $0xFFFFFFFF  }
0xb4: {  	_ =	strace $0x9000004C  }
0xb5: {  	_ =	sfence  }
0xb6: {  	s30 =	sld [smem:$0x0];
	_ =	sdelay $0x2  }
0xb7: {  	s31 =	sshll.u32 s1, $0xD;
	s1 =	sshrl.u32 s1, $0x2  }
0xb8: {  	s3 =	sand.u32 $0x4000, s31;
	s1 =	sadd.s32 s1, s30  }
0xb9: {  	s0 =	sor.u32 s3, s0;
	s1 =	sshll.u32 s1, $0x11  }
0xba: {  	s0 =	sor.u32 s1, s0  }
0xbb: {  	s0 =	sadd.s32 $0x8F2B, s0  }
0xbc: {  	[sflag:s0] =	ssyncadd.remote.s32 $0x1  }
0xbd: {  	_ =	sfence.sel $0xFFFF  }
0xbe: {  	[dreg:$0x0] =	wrdreg $0xFFFFFFFF;
	(pc) =	sbr.abs _section_cstart, $3  }
0xbf: {  	[dreg:$0x1] =	wrdreg $0xFFFFFFFF  }
0xc0: {  	_ =	task.clear_ibuf [dreg:s6], $0x2FFFF;
	_ =	strace $0x9FFFFFFF  }
0xc1: {  	(tm) =	ssettm $0x7FFFFFFF  }
tec
execute0_lowered:
.L_overlay_start_1:
0x0: {  	(tag) =	ssettag $0x1  }
0x1: {  	s1 =	srdreg.scid;
	s0 =	stileid.u32  }
0x2: {  	s4 =	rddreg [dreg:$0x0];
	s18 =	simm.s32 $0x18000;
	s19 =	simm.s32 $0x800  }
0x3: {  	s20 =	simm.s32 $0xC00;
	s21 =	simm.s32 $0x1400;
	s22 =	simm.s32 $0x1800  }
0x4: {  	s23 =	simm.s32 $0x2000;
	s24 =	simm.s32 $0x2400;
	s25 =	simm.s32 $0x2C00  }
0x5: {  	s26 =	simm.s32 $0x3000;
	s7 =	simm.s32 $0x3;
	s1 =	sand.u32 $0x1, s1  }
0x6: {  	s10 =	simm.s32 $0x4400;
	s3 =	sshll.u32 s0, $0x4;
	s2 =	sshll.u32 s1, $0x8  }
0x7: {  	s11 =	simm.s32 $0x4800;
	s3 =	sor.u32 s3, s2;
	s2 =	simm.s32 $0x0  }
0x8: {  	s12 =	simm.s32 $0x5000;
	s13 =	simm.s32 $0x5400;
	[smem:$0x7FF] =	sst s2  }
0x9: {  	s14 =	simm.s32 $0x5C00;
	_ =	strace $0x80000047;
	[dreg:$0x4] =	wrdreg s18  }
0xa: {  	s15 =	simm.s32 $0x6000;
	s16 =	simm.s32 $0x6800;
	[dreg:$0x5] =	wrdreg s19  }
0xb: {  	s17 =	simm.s32 $0x6C00;
	s28 =	simm.s32 $0xA800;
	[dreg:$0x6] =	wrdreg s20  }
0xc: {  	s29 =	simm.s32 $0xB000;
	s30 =	simm.s32 $0xB400;
	[dreg:$0x7] =	wrdreg s21  }
0xd: {  	s31 =	simm.s32 $0xBC00;
	s1 =	ssub.s32 $0x2, s1;
	[dreg:$0x8] =	wrdreg s22  }
0xe: {  	s6 =	sshrl.u32 s1, $0x1;
	s5 =	smul.u32 $0x180, s3;
	[dreg:$0x9] =	wrdreg s23  }
0xf: {  	s3 =	sadd.s32 s3, s4;
	s1 =	ssub.s32 s1, s6;
	[dreg:$0xa] =	wrdreg s24  }
0x10: {  	s6 =	simm.s32 $0x1;
	s3 =	sadd.s32 $0x2000, s3;
	[dreg:$0xb] =	wrdreg s25  }
0x11: {  	[dreg:$0xc] =	wrdreg s26;
	s18 =	simm.s32 $0x7400;
	s19 =	simm.s32 $0x7800  }
0x12: {  	s20 =	simm.s32 $0x8000;
	s21 =	simm.s32 $0x8400;
	s22 =	simm.s32 $0x8C00  }
0x13: {  	s23 =	simm.s32 $0x9000;
	s24 =	simm.s32 $0x9800;
	s25 =	simm.s32 $0x9C00  }
0x14: {  	v2 =	vlaneseq.u32;
	s26 =	simm.s32 $0xA400;
	s5 =	sadd.s32 s5, s4;
	[dreg:$0x3] =	wrdreg s3  }
0x15: {  	vm0 =	vmmov $0xffff;
	vm1 =	vmmov $0xff;
	v1 =	vshrl.u32 v2, $0x3;
	s3 =	sadd.s32 $0x32200, s4;
	s4 =	sadd.s32 $0x32300, s4;
	s5 =	sadd.s32 $0x2200, s5  }
0x16: {  	v0 =	vand.u32 $0x7, v2;
	v2 =	vor.u32 $0x8, v2;
	v1 =	vmul.u32 $0x8, v1;
	[dreg:$0x2] =	wrdreg s5;
	s5 =	smax.u32 s1, $0x1;
	s1 =	simm.s32 $0x5  }
.LBB2_1:
0x17: {  	_ =	strace $0x80000048  }
0x18: {  	s0 =	rddreg [dreg:$0x2]  }
0x19: {  	s8 =	rddreg [dreg:$0x3]  }
0x1a: {  	[tilespmem:s2], [sflag:$0x1] =	stream.linear.gather [hbm4b:s0+s2], $0xC000, $0x200038;
	[tilespmem:$0x18100] =	vst v63  }
0x1b: {  	s9 =	rddreg [dreg:$0x4]  }
0x1c: {  	[tilespmem:s9], [sflag:$0x3] =	stream.linear.gather [hbm4b:s8+s2], $0x80, $0x200038;
	[tilespmem:$0x18100] =	vst v63  }
0x1d: {  	_ =	strace $0x90000048  }
0x1e: {  	_ =	strace $0x80000049  }
0x1f: {  	_ =	swait.ge [sflag:s6], $0xC000  }
0x20: {  	[sflag:s6] =	ssyncset.done $0x0  }
0x21: {  	[sflag:s6] =	ssyncadd.s32 $0xFFFF4000  }
0x22: {  	_ =	strace $0x90000049  }
0x23: {  	_ =	strace $0x8000004A  }
0x24: {  	_ =	swait.ge [sflag:s7], $0x80  }
0x25: {  	[sflag:s7] =	ssyncset.done $0x0  }
0x26: {  	[sflag:s7] =	ssyncadd.s32 $0xFFFFFF80  }
0x27: {  	_ =	strace $0x9000004A  }
0x28: {  	_ =	strace $0x8000004B  }
0x29: {  	v3 =	vld [tilespmem:$0x18000];
	_ =	sdelay $0x4  }
0x2a: {  	v4 =	vshrl.u32 v3, $0x3  }
0x2b: {  	v4 =	vmul.u32 $0x18, v4  }
0x2c: {  	v3 =	vand.u32 $0x7, v3  }
0x2d: {  	v3 =	vor.u32 v3, v4  }
0x2e: {  	v4 =	vperm.xlane v3, v0;
	_ =	sdelay $0x1  }
0x2f: {  	v4 =	vadd.s32 v1, v4;
	_ =	sdelay $0x1  }
0x30: {  	v3 =	vperm.xlane v3, v2;
	_ =	sdelay $0x1  }
0x31: {  	v3 =	vadd.s32 v1, v3  }
0x32: {  	[hbm4b:s3+s2] =	stream.indirect_vreg.scatter [tilespmem:s2], [sflag:$0x5], $0x80, v4, vm0, $0x2000b8;
	[tilespmem:$0x18100] =	vst v63  }
0x33: {  	s9 =	rddreg [dreg:$0x5]  }
0x34: {  	[hbm4b:s4+s2] =	stream.indirect_vreg.scatter [tilespmem:s9], [sflag:$0x5], $0x80, v4, vm1, $0x2000b8;
	[tilespmem:$0x18100] =	vst v63  }
0x35: {  	s8 =	rddreg [dreg:$0x6]  }
0x36: {  	[hbm4b:s3+s2] =	stream.indirect_vreg.scatter [tilespmem:s8], [sflag:$0x5], $0x80, v3, vm0, $0x2000b8;
	[tilespmem:$0x18100] =	vst v63  }
0x37: {  	s9 =	rddreg [dreg:$0x7]  }
0x38: {  	[hbm4b:s4+s2] =	stream.indirect_vreg.scatter [tilespmem:s9], [sflag:$0x5], $0x80, v3, vm1, $0x2000b8;
	[tilespmem:$0x18100] =	vst v63  }
0x39: {  	v3 =	vld [tilespmem:$0x18010];
	_ =	sdelay $0x4  }
0x3a: {  	v57 =	vshrl.u32 v3, $0x3  }
0x3b: {  	v4 =	vmul.u32 $0x18, v57  }
0x3c: {  	v3 =	vand.u32 $0x7, v3  }
0x3d: {  	v3 =	vor.u32 v3, v4  }
0x3e: {  	v4 =	vperm.xlane v3, v0;
	_ =	sdelay $0x1  }
0x3f: {  	v4 =	vadd.s32 v1, v4;
	_ =	sdelay $0x1  }
0x40: {  	v3 =	vperm.xlane v3, v2;
	_ =	sdelay $0x1  }
0x41: {  	s8 =	rddreg [dreg:$0x8];
	v3 =	vadd.s32 v1, v3  }
0x42: {  	[hbm4b:s3+s2] =	stream.indirect_vreg.scatter [tilespmem:s8], [sflag:$0x5], $0x80, v4, vm0, $0x2000b8;
	[tilespmem:$0x18100] =	vst v63  }
0x43: {  	s9 =	rddreg [dreg:$0x9]  }
0x44: {  	[hbm4b:s4+s2] =	stream.indirect_vreg.scatter [tilespmem:s9], [sflag:$0x5], $0x80, v4, vm1, $0x2000b8;
	[tilespmem:$0x18100] =	vst v63  }
0x45: {  	s0 =	rddreg [dreg:$0xa]  }
0x46: {  	[hbm4b:s3+s2] =	stream.indirect_vreg.scatter [tilespmem:s0], [sflag:$0x5], $0x80, v3, vm0, $0x2000b8;
	[tilespmem:$0x18100] =	vst v63  }
0x47: {  	s9 =	rddreg [dreg:$0xb]  }
0x48: {  	[hbm4b:s4+s2] =	stream.indirect_vreg.scatter [tilespmem:s9], [sflag:$0x5], $0x80, v3, vm1, $0x2000b8;
	[tilespmem:$0x18100] =	vst v63  }
0x49: {  	v3 =	vld [tilespmem:$0x18020];
	_ =	sdelay $0x4  }
0x4a: {  	v58 =	vshrl.u32 v3, $0x3  }
0x4b: {  	v4 =	vmul.u32 $0x18, v58  }
0x4c: {  	v3 =	vand.u32 $0x7, v3  }
0x4d: {  	v3 =	vor.u32 v3, v4  }
0x4e: {  	v4 =	vperm.xlane v3, v0;
	_ =	sdelay $0x1  }
0x4f: {  	v4 =	vadd.s32 v1, v4;
	_ =	sdelay $0x1  }
0x50: {  	v3 =	vperm.xlane v3, v2;
	_ =	sdelay $0x1  }
0x51: {  	s9 =	rddreg [dreg:$0xc];
	v3 =	vadd.s32 v1, v3  }
0x52: {  	[hbm4b:s3+s2] =	stream.indirect_vreg.scatter [tilespmem:s9], [sflag:$0x5], $0x80, v4, vm0, $0x2000b8;
	[tilespmem:$0x18100] =	vst v63  }
0x53: {  	s8 =	simm.s32 $0x3800  }
0x54: {  	[hbm4b:s4+s2] =	stream.indirect_vreg.scatter [tilespmem:s8], [sflag:$0x5], $0x80, v4, vm1, $0x2000b8;
	[tilespmem:$0x18100] =	vst v63  }
0x55: {  	s9 =	simm.s32 $0x3C00  }
0x56: {  	[hbm4b:s3+s2] =	stream.indirect_vreg.scatter [tilespmem:s9], [sflag:$0x5], $0x80, v3, vm0, $0x2000b8;
	[tilespmem:$0x18100] =	vst v63  }
0x57: {  	_ = 	snop  }
0x58: {  	[hbm4b:s4+s2] =	stream.indirect_vreg.scatter [tilespmem:s10], [sflag:$0x5], $0x80, v3, vm1, $0x2000b8;
	[tilespmem:$0x18100] =	vst v63  }
0x59: {  	v3 =	vld [tilespmem:$0x18030];
	_ =	sdelay $0x4  }
0x5a: {  	v59 =	vshrl.u32 v3, $0x3  }
0x5b: {  	v4 =	vmul.u32 $0x18, v59  }
0x5c: {  	v3 =	vand.u32 $0x7, v3  }
0x5d: {  	v3 =	vor.u32 v3, v4  }
0x5e: {  	v4 =	vperm.xlane v3, v0;
	_ =	sdelay $0x1  }
0x5f: {  	v4 =	vadd.s32 v1, v4;
	_ =	sdelay $0x1  }
0x60: {  	v3 =	vperm.xlane v3, v2;
	_ =	sdelay $0x1  }
0x61: {  	v3 =	vadd.s32 v1, v3  }
0x62: {  	[hbm4b:s3+s2] =	stream.indirect_vreg.scatter [tilespmem:s11], [sflag:$0x5], $0x80, v4, vm0, $0x2000b8;
	[tilespmem:$0x18100] =	vst v63  }
0x63: {  	_ = 	snop  }
0x64: {  	[hbm4b:s4+s2] =	stream.indirect_vreg.scatter [tilespmem:s12], [sflag:$0x5], $0x80, v4, vm1, $0x2000b8;
	[tilespmem:$0x18100] =	vst v63  }
0x65: {  	_ = 	snop  }
0x66: {  	[hbm4b:s3+s2] =	stream.indirect_vreg.scatter [tilespmem:s13], [sflag:$0x5], $0x80, v3, vm0, $0x2000b8;
	[tilespmem:$0x18100] =	vst v63  }
0x67: {  	_ = 	snop  }
0x68: {  	[hbm4b:s4+s2] =	stream.indirect_vreg.scatter [tilespmem:s14], [sflag:$0x5], $0x80, v3, vm1, $0x2000b8;
	[tilespmem:$0x18100] =	vst v63  }
0x69: {  	v3 =	vld [tilespmem:$0x18040];
	_ =	sdelay $0x4  }
0x6a: {  	v60 =	vshrl.u32 v3, $0x3  }
0x6b: {  	v4 =	vmul.u32 $0x18, v60  }
0x6c: {  	v3 =	vand.u32 $0x7, v3  }
0x6d: {  	v3 =	vor.u32 v3, v4  }
0x6e: {  	v4 =	vperm.xlane v3, v0;
	_ =	sdelay $0x1  }
0x6f: {  	v4 =	vadd.s32 v1, v4;
	_ =	sdelay $0x1  }
0x70: {  	v3 =	vperm.xlane v3, v2;
	_ =	sdelay $0x1  }
0x71: {  	v3 =	vadd.s32 v1, v3  }
0x72: {  	[hbm4b:s3+s2] =	stream.indirect_vreg.scatter [tilespmem:s15], [sflag:$0x5], $0x80, v4, vm0, $0x2000b8;
	[tilespmem:$0x18100] =	vst v63  }
0x73: {  	_ = 	snop  }
0x74: {  	[hbm4b:s4+s2] =	stream.indirect_vreg.scatter [tilespmem:s16], [sflag:$0x5], $0x80, v4, vm1, $0x2000b8;
	[tilespmem:$0x18100] =	vst v63  }
0x75: {  	_ = 	snop  }
0x76: {  	[hbm4b:s3+s2] =	stream.indirect_vreg.scatter [tilespmem:s17], [sflag:$0x5], $0x80, v3, vm0, $0x2000b8;
	[tilespmem:$0x18100] =	vst v63  }
0x77: {  	_ = 	snop  }
0x78: {  	[hbm4b:s4+s2] =	stream.indirect_vreg.scatter [tilespmem:s18], [sflag:$0x5], $0x80, v3, vm1, $0x2000b8;
	[tilespmem:$0x18100] =	vst v63  }
0x79: {  	v3 =	vld [tilespmem:$0x18050];
	_ =	sdelay $0x4  }
0x7a: {  	v61 =	vshrl.u32 v3, $0x3  }
0x7b: {  	v4 =	vmul.u32 $0x18, v61  }
0x7c: {  	v3 =	vand.u32 $0x7, v3  }
0x7d: {  	v3 =	vor.u32 v3, v4  }
0x7e: {  	v4 =	vperm.xlane v3, v0;
	_ =	sdelay $0x1  }
0x7f: {  	v4 =	vadd.s32 v1, v4;
	_ =	sdelay $0x1  }
0x80: {  	v3 =	vperm.xlane v3, v2;
	_ =	sdelay $0x1  }
0x81: {  	v3 =	vadd.s32 v1, v3  }
0x82: {  	[hbm4b:s3+s2] =	stream.indirect_vreg.scatter [tilespmem:s19], [sflag:$0x5], $0x80, v4, vm0, $0x2000b8;
	[tilespmem:$0x18100] =	vst v63  }
0x83: {  	_ = 	snop  }
0x84: {  	[hbm4b:s4+s2] =	stream.indirect_vreg.scatter [tilespmem:s20], [sflag:$0x5], $0x80, v4, vm1, $0x2000b8;
	[tilespmem:$0x18100] =	vst v63  }
0x85: {  	_ = 	snop  }
0x86: {  	[hbm4b:s3+s2] =	stream.indirect_vreg.scatter [tilespmem:s21], [sflag:$0x5], $0x80, v3, vm0, $0x2000b8;
	[tilespmem:$0x18100] =	vst v63  }
0x87: {  	_ = 	snop  }
0x88: {  	[hbm4b:s4+s2] =	stream.indirect_vreg.scatter [tilespmem:s22], [sflag:$0x5], $0x80, v3, vm1, $0x2000b8;
	[tilespmem:$0x18100] =	vst v63  }
0x89: {  	v3 =	vld [tilespmem:$0x18060];
	_ =	sdelay $0x4  }
0x8a: {  	v62 =	vshrl.u32 v3, $0x3  }
0x8b: {  	v4 =	vmul.u32 $0x18, v62  }
0x8c: {  	v3 =	vand.u32 $0x7, v3  }
0x8d: {  	v3 =	vor.u32 v3, v4  }
0x8e: {  	v4 =	vperm.xlane v3, v0;
	_ =	sdelay $0x1  }
0x8f: {  	v4 =	vadd.s32 v1, v4;
	_ =	sdelay $0x1  }
0x90: {  	v3 =	vperm.xlane v3, v2;
	_ =	sdelay $0x1  }
0x91: {  	v3 =	vadd.s32 v1, v3  }
0x92: {  	[hbm4b:s3+s2] =	stream.indirect_vreg.scatter [tilespmem:s23], [sflag:$0x5], $0x80, v4, vm0, $0x2000b8;
	[tilespmem:$0x18100] =	vst v63  }
0x93: {  	_ = 	snop  }
0x94: {  	[hbm4b:s4+s2] =	stream.indirect_vreg.scatter [tilespmem:s24], [sflag:$0x5], $0x80, v4, vm1, $0x2000b8;
	[tilespmem:$0x18100] =	vst v63  }
0x95: {  	_ = 	snop  }
0x96: {  	[hbm4b:s3+s2] =	stream.indirect_vreg.scatter [tilespmem:s25], [sflag:$0x5], $0x80, v3, vm0, $0x2000b8;
	[tilespmem:$0x18100] =	vst v63  }
0x97: {  	_ = 	snop  }
0x98: {  	[hbm4b:s4+s2] =	stream.indirect_vreg.scatter [tilespmem:s26], [sflag:$0x5], $0x80, v3, vm1, $0x2000b8;
	[tilespmem:$0x18100] =	vst v63  }
0x99: {  	v3 =	vld [tilespmem:$0x18070];
	_ =	sdelay $0x4  }
0x9a: {  	v63 =	vshrl.u32 v3, $0x3  }
0x9b: {  	v4 =	vmul.u32 $0x18, v63  }
0x9c: {  	v3 =	vand.u32 $0x7, v3  }
0x9d: {  	v3 =	vor.u32 v3, v4  }
0x9e: {  	v4 =	vperm.xlane v3, v0;
	_ =	sdelay $0x1  }
0x9f: {  	v4 =	vadd.s32 v1, v4;
	_ =	sdelay $0x1  }
0xa0: {  	v3 =	vperm.xlane v3, v2;
	_ =	sdelay $0x1  }
0xa1: {  	v3 =	vadd.s32 v1, v3  }
0xa2: {  	[hbm4b:s3+s2] =	stream.indirect_vreg.scatter [tilespmem:s28], [sflag:$0x5], $0x80, v4, vm0, $0x2000b8;
	[tilespmem:$0x18100] =	vst v63  }
0xa3: {  	_ = 	snop  }
0xa4: {  	[hbm4b:s4+s2] =	stream.indirect_vreg.scatter [tilespmem:s29], [sflag:$0x5], $0x80, v4, vm1, $0x2000b8;
	[tilespmem:$0x18100] =	vst v63  }
0xa5: {  	_ = 	snop  }
0xa6: {  	[hbm4b:s3+s2] =	stream.indirect_vreg.scatter [tilespmem:s30], [sflag:$0x5], $0x80, v3, vm0, $0x2000b8;
	[tilespmem:$0x18100] =	vst v63  }
0xa7: {  	p0 =	sne.s32 s5, $0x1  }
0xa8: {  	[hbm4b:s4+s2] =	stream.indirect_vreg.scatter [tilespmem:s31], [sflag:$0x5], $0x80, v3, vm1, $0x2000b8;
	[tilespmem:$0x18100] =	vst v63  }
.Ltmp0:
0xa9: {  	_ = 	snop;
	(pc) =	sbr.rel @p0 .LBB2_1-.Ltmp0, $4  }
0xaa: {  	_ =	swait.ge [sflag:s1], $0xC000  }
0xab: {  	[sflag:s1] =	ssyncset.done $0x0  }
0xac: {  	[sflag:s1] =	ssyncadd.s32 $0xFFFF4000  }
0xad: {  	s5 =	sadd.s32 $0xFFFFFFFF, s5;
	_ =	strace $0x9000004B  }
0xae: {  	_ =	sfence.sel $0x180000  }
0xaf: {  	[bflag:$0x0] =	sbarrier.arrive $0xFFFF  }
0xb0: {  	_ =	strace $0x90000047  }
0xb1: {  	s0 =	stileid.u32;
	[bflag:$0x2] =	sbarrier.arrive $0xFFFF  }
0xb2: {  	p0 =	sne.s32 s0, $0x0;
	s0 =	rddreg [dreg:$0x1]  }
0xb3: {  	s0 =	sadd.s32 @!p0 $0x100000, s0  }
0xb4: {  	[sflag:s0] =	ssyncadd.tile.s32 @!p0 $0x1;
	_ =	shalt  }
.Lfunc_end2:
_tile_overlayer_lowered:
.L_overlay_start_2:
0xb5: {  	(tag) =	ssettag $0x2  }
0xb6: {  	s0 =	rddreg [dreg:$0x0];
	s2 =	stileid.u32  }
0xb7: {  	s1 =	rddreg [dreg:$0x1];
	p0 =	sne.s32 s2, $0x0  }
0xb8: {  	s3 =	rddreg [dreg:$0x2];
	[bflag:$0x3] =	sbarrier.arrive $0xFFFF;
	s2 =	simm.s32 @!p0 $0x1C01  }
0xb9: {  	[timem:s3], [sflag:s2] =	dma.local @!p0 [hbm:s0], s1  }
0xba: {  	s0 =	simm.s32 @!p0 $0x1  }
0xbb: {  	_ =	swait.ge @!p0 [sflag:s0], s1  }
0xbc: {  	s1 =	ssub.s32 @!p0 $0x0, s1;
	[sflag:s0] =	ssyncset.done @!p0 $0x0  }
0xbd: {  	[sflag:s0] =	ssyncadd.s32 @!p0 s1  }
0xbe: {  	[bflag:$0x3] =	sbarrier.arrive $0xFFFF  }
0xbf: {  	_ =	shalt  }

// kernel: kernel.9.cloned.1.call-start
scs
__scs_entry_jumppad:
0x0: {  	(pc) =	sbr.rel $0x88, $3  }
0x1: {  	(tag) =	ssettag $0x0;
	lr =	simm.s32 $0x1  }
0x2: {  	[smem:$0x3F98] =	sst lr;
	_ =	strace $0xD0000000  }
0x3: {  	_ = 	snop  }
0x4: {  	_ = 	snop  }
0x5: {  	_ = 	snop  }
0x6: {  	_ = 	snop  }
0x7: {  	_ = 	snop  }
__scs_overlays_trampoline_lowered:
0x8: {  	[smem:$0x3FA7] =	sst s0  }
0x9: {  	[smem:$0x3FA8] =	sst s1  }
0xa: {  	[smem:$0x3FA9] =	sst s2  }
0xb: {  	[smem:$0x3FAA] =	sst s3  }
0xc: {  	[smem:$0x3FAB] =	sst s4  }
0xd: {  	[smem:$0x3FAC] =	sst s5  }
0xe: {  	[smem:$0x3FAD] =	sst s6  }
0xf: {  	[smem:$0x3FAE] =	sst s7  }
0x10: {  	[smem:$0x3FAF] =	sst s8  }
0x11: {  	[smem:$0x3FB0] =	sst s9;
	s0 =	simm.s32 @!p0 $0x0  }
0x12: {  	s1 =	sld [smem:$0x3F96];
	s0 =	simm.s32 @p0 $0x1  }
0x13: {  	[smem:$0x3FB1] =	sst s0;
	s0 =	simm.s32 @!p1 $0x0  }
0x14: {  	s2 =	sld [smem:$0x3F95];
	s0 =	simm.s32 @p1 $0x1  }
0x15: {  	[smem:$0x3FB2] =	sst s0;
	s0 =	simm.s32 @!p2 $0x0  }
0x16: {  	s3 =	sld [smem:$0x3FDB];
	s0 =	simm.s32 @p2 $0x1  }
0x17: {  	s4 =	simm.s32 $0x1BF5;
	[smem:$0x3FB4] =	sst s0  }
0x18: {  	s0 =	sld [smem:$0x3F97];
	_ =	swait.ge [sflag:s4], $0x0  }
0x19: {  	s7 =	sld [smem:$0x3F98]  }
0x1a: {  	s8 =	sadd.s32 $0xFFFFE003, lr  }
0x1b: {  	s9 =	sadd.s32 $0xFFFFFEF7, lr;
	s5 =	simm.s32 $0xFFFFFFFF;
	p2 =	slt.u32 s8, $0xFFFFF086  }
0x1c: {  	p1 =	slt.u32 s9, $0xF7A;
	s5 =	simm.s32 @!p2 $0x0  }
0x1d: {  	s5 =	simm.s32 @p1 $0x1;
	p0 =	seq.s32 s7, s2  }
0x1e: {  	s7 =	smul.u32 @!p0 $0xF7A, s2;
	p2 =	seq.s32 @!p0 s5, $0x0  }
0x1f: {  	s9 =	smul.u32 $0xF7A, s1;
	s8 =	simm.s32 @!p0 $0x1BF5;
	p2 =	por !p2, p0  }
0x20: {  	[sflag:s8] =	ssyncset.s32 @!p0 $0xFFFFF086;
	s6 =	sadd.s32 @!p0 s3, s7;
	s7 =	simm.s32 @!p0 $0x108  }
0x21: {  	s3 =	sadd.s32 s3, s9;
	s6 =	sadd.s32 @!p0 $0x88, s6;
	s7 =	simm.s32 @p2 $0x1082  }
0x22: {  	[simem:s7], [sflag:s8] =	dma.local @!p0 [hbm:s6], $0xF7A  }
0x23: {  	s9 =	sor.u32 $0xD0000000, s2;
	s6 =	simm.s32 $0x108;
	_ =	swait.ge @!p0 [sflag:s8], $0x0  }
0x24: {  	s3 =	sadd.s32 $0x88, s3;
	s6 =	simm.s32 @!p1 $0x1082;
	[sflag:s4] =	ssyncset.s32 $0xFFFFF086  }
0x25: {  	[simem:s6], [sflag:s4] =	dma.local [hbm:s3], $0xF7A  }
0x26: {  	[smem:$0x3F98] =	sst s1;
	(tag) =	ssettag s2;
	_ =	strace s9  }
0x27: {  	s1 =	sld [smem:$0x3FA8]  }
0x28: {  	s2 =	sld [smem:$0x3FA9]  }
0x29: {  	s4 =	sld [smem:$0x3FAB]  }
0x2a: {  	p0 =	seq.s32 s5, $0x0;
	s5 =	sld [smem:$0x3FAC]  }
0x2b: {  	s6 =	sld [smem:$0x3FAD]  }
0x2c: {  	s7 =	sld [smem:$0x3FAE]  }
0x2d: {  	s3 =	simm.s32 $0x108;
	s8 =	sld [smem:$0x3FAF]  }
0x2e: {  	s3 =	simm.s32 @!p0 $0x1082;
	s9 =	sld [smem:$0x3FB0]  }
0x2f: {  	lr =	sadd.s32 s0, s3;
	s0 =	sld [smem:$0x3FA7]  }
0x30: {  	s3 =	sld [smem:$0x3FAA]  }
0x31: {  	[smem:$0x3FB3] =	sst s10  }
0x32: {  	s10 =	sld [smem:$0x3FB1];
	_ =	sdelay $0x3  }
0x33: {  	p0 =	seq.s32 s10, $0x1;
	s10 =	sld [smem:$0x3FB3];
	_ =	sdelay $0x3  }
0x34: {  	[smem:$0x3FB3] =	sst s10  }
0x35: {  	s10 =	sld [smem:$0x3FB2];
	_ =	sdelay $0x3  }
0x36: {  	p1 =	seq.s32 s10, $0x1;
	s10 =	sld [smem:$0x3FB3];
	_ =	sdelay $0x3  }
0x37: {  	[smem:$0x3FB3] =	sst s10  }
0x38: {  	s10 =	sld [smem:$0x3FB4]  }
0x39: {  	_ = 	snop;
	(pc) =	sbr.ind lr, $3  }
0x3a: {  	_ = 	snop  }
0x3b: {  	_ = 	snop  }
0x3c: {  	p2 =	seq.s32 s10, $0x1;
	s10 =	sld [smem:$0x3FB3]  }
0x3d: {  	_ =	shalt  }
0x3e: {  	_ =	shalt  }
0x3f: {  	_ =	shalt  }
0x40: {  	_ =	shalt  }
0x41: {  	_ =	shalt  }
0x42: {  	_ =	shalt  }
0x43: {  	_ =	shalt  }
0x44: {  	_ =	shalt  }
0x45: {  	_ =	shalt  }
0x46: {  	_ =	shalt  }
0x47: {  	_ =	shalt  }
0x48: {  	_ =	shalt  }
0x49: {  	_ =	shalt  }
0x4a: {  	_ =	shalt  }
0x4b: {  	_ =	shalt  }
0x4c: {  	_ =	shalt  }
0x4d: {  	_ =	shalt  }
0x4e: {  	_ =	shalt  }
0x4f: {  	_ =	shalt  }
0x50: {  	_ =	shalt  }
0x51: {  	_ =	shalt  }
0x52: {  	_ =	shalt  }
0x53: {  	_ =	shalt  }
0x54: {  	_ =	shalt  }
0x55: {  	_ =	shalt  }
0x56: {  	_ =	shalt  }
0x57: {  	_ =	shalt  }
0x58: {  	_ =	shalt  }
0x59: {  	_ =	shalt  }
0x5a: {  	_ =	shalt  }
0x5b: {  	_ =	shalt  }
0x5c: {  	_ =	shalt  }
0x5d: {  	_ =	shalt  }
0x5e: {  	_ =	shalt  }
0x5f: {  	_ =	shalt  }
0x60: {  	_ =	shalt  }
0x61: {  	_ =	shalt  }
0x62: {  	_ =	shalt  }
0x63: {  	_ =	shalt  }
0x64: {  	_ =	shalt  }
0x65: {  	_ =	shalt  }
0x66: {  	_ =	shalt  }
0x67: {  	_ =	shalt  }
0x68: {  	_ =	shalt  }
0x69: {  	_ =	shalt  }
0x6a: {  	_ =	shalt  }
0x6b: {  	_ =	shalt  }
0x6c: {  	_ =	shalt  }
0x6d: {  	_ =	shalt  }
0x6e: {  	_ =	shalt  }
0x6f: {  	_ =	shalt  }
0x70: {  	_ =	shalt  }
0x71: {  	_ =	shalt  }
0x72: {  	_ =	shalt  }
0x73: {  	_ =	shalt  }
0x74: {  	_ =	shalt  }
0x75: {  	_ =	shalt  }
0x76: {  	_ =	shalt  }
0x77: {  	_ =	shalt  }
0x78: {  	_ =	shalt  }
0x79: {  	_ =	shalt  }
0x7a: {  	_ =	shalt  }
0x7b: {  	_ =	shalt  }
0x7c: {  	_ =	shalt  }
0x7d: {  	_ =	shalt  }
0x7e: {  	_ =	shalt  }
0x7f: {  	_ =	shalt  }
0x80: {  	_ =	shalt  }
0x81: {  	_ =	shalt  }
0x82: {  	_ =	shalt  }
0x83: {  	_ =	shalt  }
0x84: {  	_ =	shalt  }
0x85: {  	_ =	shalt  }
0x86: {  	_ =	shalt  }
0x87: {  	_ =	shalt  }
.Lfunc_end0:
.L_simem_size_0:
called_computation.1_lowered:
.L_overlay_start_0:
0x88: {  	s2 =	sld [smem:$0x3FD9]  }
0x89: {  	s3 =	sld [smem:$0x3FFE];
	_ =	sdelay $0x1  }
0x8a: {  	s1 =	srdreg.scid  }
0x8b: {  	s0 =	sand.u32 $0x1, s1  }
0x8c: {  	s17 =	sshll.u32 s0, $0xA;
	s2 =	sadd.s32 s3, s2  }
0x8d: {  	s2 =	sadd.s32 s2, s17  }
0x8e: {  	[smem:$0x3FBF] =	sst s2  }
0x8f: {  	_ = 	snop  }
0x90: {  	s2 =	sld [smem:$0x3FD0];
	(tm) =	ssettm $0x1  }
0x91: {  	s18 =	sld [smem:$0x3FFB];
	_ =	sdelay $0x3  }
0x92: {  	_ =	strace s18  }
0x93: {  	s3 =	sld [smem:$0x3FFC];
	_ =	sdelay $0x3  }
0x94: {  	_ =	strace s3  }
0x95: {  	s3 =	sld [smem:$0x3FFD];
	_ =	sdelay $0x3  }
0x96: {  	_ =	strace s3  }
0x97: {  	_ =	strace $0x8FFFFFFF  }
0x98: {  	s19 =	sld [smem:$0x3FDB];
	_ =	sdelay $0x1  }
0x99: {  	s4 =	simm.s32 $_scs_section_size  }
0x9a: {  	s5 =	simm.s32 $_size__tile_overlayer_lowered;
	s6 =	simm.s32 $_tile_overlayer_lowered  }
0x9b: {  	s22 =	simm.s32 $0x1BFF;
	s21 =	sshll.u32 s6, $0x1;
	s3 =	sadd.s32 s4, s19  }
0x9c: {  	s7 =	simm.s32 $0x0;
	s20 =	sshll.u32 s5, $0x1;
	s5 =	sadd.s32 s21, s3  }
0x9d: {  	[timem:s7], [sflag:s22] =	dma.local [hbm:s5], s20  }
0x9e: {  	_ =	swait.ge [sflag:s22], s20  }
0x9f: {  	s4 =	ssub.s32 $0x0, s20;
	[sflag:s22] =	ssyncset.done $0x0  }
0xa0: {  	[sflag:s22] =	ssyncadd.s32 s4;
	_ =	sdelay $0x1  }
0xa1: {  	s23 =	simm.s32 $0x1B8B  }
0xa2: {  	_ =	swait.ge [sflag:s23], $0x1  }
0xa3: {  	[sflag:s23] =	ssyncset.done $0x0  }
0xa4: {  	s25 =	simm.s32 $0x1B8E;
	s24 =	sld [smem:$0x3FFE];
	[sflag:s23] =	ssyncadd.s32 $0xFFFFFFFF  }
0xa5: {  	s26 =	simm.s32 $execute0_lowered;
	[smem:$0x3FD2] =	sst s25  }
0xa6: {  	s5 =	sshll.u32 s26, $0x1;
	_ =	strace $0x8000004D;
	[dreg:$0x1] =	wrdreg $0xFFFFFFFF  }
0xa7: {  	s28 =	simm.s32 $_size_execute0_lowered;
	s3 =	sadd.s32 s3, s5;
	[dreg:$0x0] =	wrdreg $0x0  }
0xa8: {  	s5 =	sshll.u32 s28, $0x1;
	[dreg:$0x2] =	wrdreg s3  }
0xa9: {  	[dreg:$0x3] =	wrdreg s5  }
0xaa: {  	[dreg:$0x4] =	wrdreg $0xC0  }
0xab: {  	_ =	task [dreg:s7], $0x5FFFF  }
0xac: {  	[dreg:$0x1] =	wrdreg $0xFFFFFFFF  }
0xad: {  	[dreg:$0x0] =	wrdreg $0x60  }
0xae: {  	[dreg:$0x2] =	wrdreg s24  }
0xaf: {  	[dreg:$0x3] =	wrdreg s2  }
0xb0: {  	[dreg:$0x4] =	wrdreg $0x9  }
0xb1: {  	_ =	task.clear_ibuf [dreg:s7], $0x5FFFF;
	_ =	strace $0x9000004D  }
0xb2: {  	s29 =	simm.s32 $0x9;
	_ =	strace $0x80000054  }
0xb3: {  	_ =	swait.ge [sflag:s29], $0x1  }
0xb4: {  	[sflag:s29] =	ssyncadd.s32 $0xFFFFFFFF  }
0xb5: {  	_ =	strace $0x90000054  }
0xb6: {  	_ =	sfence  }
0xb7: {  	s30 =	sld [smem:$0x0];
	_ =	sdelay $0x2  }
0xb8: {  	s31 =	sshll.u32 s1, $0xD;
	s1 =	sshrl.u32 s1, $0x2  }
0xb9: {  	s3 =	sand.u32 $0x4000, s31;
	s1 =	sadd.s32 s1, s30  }
0xba: {  	s0 =	sor.u32 s3, s0;
	s1 =	sshll.u32 s1, $0x11  }
0xbb: {  	s0 =	sor.u32 s1, s0  }
0xbc: {  	s0 =	sadd.s32 $0x8F2B, s0  }
0xbd: {  	[sflag:s0] =	ssyncadd.remote.s32 $0x1  }
0xbe: {  	_ =	sfence.sel $0xFFFF  }
0xbf: {  	[dreg:$0x0] =	wrdreg $0xFFFFFFFF;
	(pc) =	sbr.abs _section_cstart, $3  }
0xc0: {  	[dreg:$0x1] =	wrdreg $0xFFFFFFFF  }
0xc1: {  	_ =	task.clear_ibuf [dreg:s7], $0x2FFFF;
	_ =	strace $0x9FFFFFFF  }
0xc2: {  	(tm) =	ssettm $0x7FFFFFFF  }
0xc3: {  	_ =	shalt  }
tec
execute0_lowered:
.L_overlay_start_1:
0x0: {  	(tag) =	ssettag $0x1  }
0x1: {  	s4 =	rddreg [dreg:$0x0]  }
0x2: {  	s5 =	rddreg [dreg:$0x1];
	s2 =	srdreg.scid  }
0x3: {  	s0 =	rddreg [dreg:$0x2];
	s1 =	stileid.u32  }
0x4: {  	s9 =	simm.s32 $0x900;
	s10 =	simm.s32 $0x1100;
	s11 =	simm.s32 $0x1900  }
0x5: {  	s12 =	simm.s32 $0x2100;
	s13 =	simm.s32 $0x2900;
	s14 =	simm.s32 $0x3100  }
0x6: {  	s15 =	simm.s32 $0x3900;
	s16 =	simm.s32 $0x4100;
	s17 =	simm.s32 $0x4900  }
0x7: {  	s18 =	simm.s32 $0x5100;
	s19 =	simm.s32 $0x5900;
	s20 =	simm.s32 $0x6100  }
0x8: {  	s21 =	simm.s32 $0x6900;
	s22 =	simm.s32 $0x7100;
	s23 =	simm.s32 $0x7900  }
0x9: {  	s24 =	simm.s32 $0x5;
	s25 =	simm.s32 $0x3;
	s3 =	sand.u32 $0x1, s2  }
0xa: {  	s2 =	simm.s32 $0x0;
	s7 =	sshll.u32 s1, $0x7;
	s6 =	sshll.u32 s3, $0xB  }
0xb: {  	[smem:$0x7FF] =	sst s2;
	s8 =	ssub.s32 $0x2, s3;
	s6 =	sor.u32 s7, s6  }
0xc: {  	s3 =	sadd.s32 $0x2200, s4;
	_ =	strace $0x8000004E;
	s7 =	sshrl.u32 s6, $0x3  }
0xd: {  	v2 =	vlaneseq.u32;
	s31 =	sshrl.u32 s8, $0x1;
	s6 =	sshll.u32 s6, $0x5;
	s4 =	sadd.s32 s7, s4  }
0xe: {  	vm0 =	vmmov $0xffff;
	v1 =	vshrl.u32 v2, $0x3;
	s7 =	ssub.s32 s8, s31;
	s5 =	sadd.s32 s5, s6;
	s8 =	simm.s32 $0x100  }
0xf: {  	v0 =	vand.u32 $0x7, v2;
	v2 =	vor.u32 $0x8, v2;
	v1 =	vmul.u32 $0x8, v1;
	s4 =	sadd.s32 $0x2000, s4;
	s6 =	smax.u32 s7, $0x1;
	s7 =	simm.s32 $0x1  }
.LBB2_1:
0x10: {  	_ =	strace $0x8000004F  }
0x11: {  	[tilespmem:s2], [sflag:$0x1] =	stream.linear.gather [hbm4b:s4+s2], $0x80, $0x200038;
	[tilespmem:$0x10100] =	vst v63  }
0x12: {  	_ =	strace $0x9000004F  }
0x13: {  	_ =	strace $0x80000050  }
0x14: {  	_ =	swait.ge [sflag:s7], $0x80  }
0x15: {  	[sflag:s7] =	ssyncset.done $0x0  }
0x16: {  	[sflag:s7] =	ssyncadd.s32 $0xFFFFFF80  }
0x17: {  	_ =	strace $0x90000050  }
0x18: {  	_ =	strace $0x80000051  }
0x19: {  	v3 =	vld [tilespmem:$0x0];
	_ =	sdelay $0x4  }
0x1a: {  	v4 =	vshll.u32 v3, $0x1  }
0x1b: {  	v3 =	vand.u32 $0x7, v3;
	v4 =	vand.u32 $0xFFFFFFF0, v4  }
0x1c: {  	v3 =	vor.u32 v3, v4  }
0x1d: {  	v4 =	vperm.xlane v3, v0;
	_ =	sdelay $0x1  }
0x1e: {  	v3 =	vperm.xlane v3, v2;
	v4 =	vadd.s32 v1, v4;
	_ =	sdelay $0x1  }
0x1f: {  	v3 =	vadd.s32 v1, v3;
	_ =	sdelay $0x2  }
0x20: {  	[tilespmem:s8], [sflag:$0x5] =	stream.indirect_vreg.gather [hbm4b:s3+s2], $0x80, v4, vm0, $0x2000b8;
	[tilespmem:$0x10100] =	vst v63  }
0x21: {  	_ = 	snop  }
0x22: {  	[tilespmem:s9], [sflag:$0x5] =	stream.indirect_vreg.gather [hbm4b:s3+s2], $0x80, v3, vm0, $0x2000b8;
	[tilespmem:$0x10100] =	vst v63  }
0x23: {  	v3 =	vld [tilespmem:$0x10];
	_ =	sdelay $0x4  }
0x24: {  	v57 =	vshll.u32 v3, $0x1  }
0x25: {  	v3 =	vand.u32 $0x7, v3;
	v4 =	vand.u32 $0xFFFFFFF0, v57  }
0x26: {  	v3 =	vor.u32 v3, v4  }
0x27: {  	v4 =	vperm.xlane v3, v0;
	_ =	sdelay $0x1  }
0x28: {  	v3 =	vperm.xlane v3, v2;
	v4 =	vadd.s32 v1, v4;
	_ =	sdelay $0x1  }
0x29: {  	v3 =	vadd.s32 v1, v3;
	_ =	sdelay $0x2  }
0x2a: {  	[tilespmem:s10], [sflag:$0x5] =	stream.indirect_vreg.gather [hbm4b:s3+s2], $0x80, v4, vm0, $0x2000b8;
	[tilespmem:$0x10100] =	vst v63  }
0x2b: {  	_ = 	snop  }
0x2c: {  	[tilespmem:s11], [sflag:$0x5] =	stream.indirect_vreg.gather [hbm4b:s3+s2], $0x80, v3, vm0, $0x2000b8;
	[tilespmem:$0x10100] =	vst v63  }
0x2d: {  	v3 =	vld [tilespmem:$0x20];
	_ =	sdelay $0x4  }
0x2e: {  	v58 =	vshll.u32 v3, $0x1  }
0x2f: {  	v3 =	vand.u32 $0x7, v3;
	v4 =	vand.u32 $0xFFFFFFF0, v58  }
0x30: {  	v3 =	vor.u32 v3, v4  }
0x31: {  	v4 =	vperm.xlane v3, v0;
	_ =	sdelay $0x1  }
0x32: {  	v3 =	vperm.xlane v3, v2;
	v4 =	vadd.s32 v1, v4;
	_ =	sdelay $0x1  }
0x33: {  	v3 =	vadd.s32 v1, v3;
	_ =	sdelay $0x2  }
0x34: {  	[tilespmem:s12], [sflag:$0x5] =	stream.indirect_vreg.gather [hbm4b:s3+s2], $0x80, v4, vm0, $0x2000b8;
	[tilespmem:$0x10100] =	vst v63  }
0x35: {  	_ = 	snop  }
0x36: {  	[tilespmem:s13], [sflag:$0x5] =	stream.indirect_vreg.gather [hbm4b:s3+s2], $0x80, v3, vm0, $0x2000b8;
	[tilespmem:$0x10100] =	vst v63  }
0x37: {  	v3 =	vld [tilespmem:$0x30];
	_ =	sdelay $0x4  }
0x38: {  	v59 =	vshll.u32 v3, $0x1  }
0x39: {  	v3 =	vand.u32 $0x7, v3;
	v4 =	vand.u32 $0xFFFFFFF0, v59  }
0x3a: {  	v3 =	vor.u32 v3, v4  }
0x3b: {  	v4 =	vperm.xlane v3, v0;
	_ =	sdelay $0x1  }
0x3c: {  	v3 =	vperm.xlane v3, v2;
	v4 =	vadd.s32 v1, v4;
	_ =	sdelay $0x1  }
0x3d: {  	v3 =	vadd.s32 v1, v3;
	_ =	sdelay $0x2  }
0x3e: {  	[tilespmem:s14], [sflag:$0x5] =	stream.indirect_vreg.gather [hbm4b:s3+s2], $0x80, v4, vm0, $0x2000b8;
	[tilespmem:$0x10100] =	vst v63  }
0x3f: {  	_ = 	snop  }
0x40: {  	[tilespmem:s15], [sflag:$0x5] =	stream.indirect_vreg.gather [hbm4b:s3+s2], $0x80, v3, vm0, $0x2000b8;
	[tilespmem:$0x10100] =	vst v63  }
0x41: {  	v3 =	vld [tilespmem:$0x40];
	_ =	sdelay $0x4  }
0x42: {  	v60 =	vshll.u32 v3, $0x1  }
0x43: {  	v3 =	vand.u32 $0x7, v3;
	v4 =	vand.u32 $0xFFFFFFF0, v60  }
0x44: {  	v3 =	vor.u32 v3, v4  }
0x45: {  	v4 =	vperm.xlane v3, v0;
	_ =	sdelay $0x1  }
0x46: {  	v3 =	vperm.xlane v3, v2;
	v4 =	vadd.s32 v1, v4;
	_ =	sdelay $0x1  }
0x47: {  	v3 =	vadd.s32 v1, v3;
	_ =	sdelay $0x2  }
0x48: {  	[tilespmem:s16], [sflag:$0x5] =	stream.indirect_vreg.gather [hbm4b:s3+s2], $0x80, v4, vm0, $0x2000b8;
	[tilespmem:$0x10100] =	vst v63  }
0x49: {  	_ = 	snop  }
0x4a: {  	[tilespmem:s17], [sflag:$0x5] =	stream.indirect_vreg.gather [hbm4b:s3+s2], $0x80, v3, vm0, $0x2000b8;
	[tilespmem:$0x10100] =	vst v63  }
0x4b: {  	v3 =	vld [tilespmem:$0x50];
	_ =	sdelay $0x4  }
0x4c: {  	v61 =	vshll.u32 v3, $0x1  }
0x4d: {  	v3 =	vand.u32 $0x7, v3;
	v4 =	vand.u32 $0xFFFFFFF0, v61  }
0x4e: {  	v3 =	vor.u32 v3, v4  }
0x4f: {  	v4 =	vperm.xlane v3, v0;
	_ =	sdelay $0x1  }
0x50: {  	v3 =	vperm.xlane v3, v2;
	v4 =	vadd.s32 v1, v4;
	_ =	sdelay $0x1  }
0x51: {  	v3 =	vadd.s32 v1, v3;
	_ =	sdelay $0x2  }
0x52: {  	[tilespmem:s18], [sflag:$0x5] =	stream.indirect_vreg.gather [hbm4b:s3+s2], $0x80, v4, vm0, $0x2000b8;
	[tilespmem:$0x10100] =	vst v63  }
0x53: {  	_ = 	snop  }
0x54: {  	[tilespmem:s19], [sflag:$0x5] =	stream.indirect_vreg.gather [hbm4b:s3+s2], $0x80, v3, vm0, $0x2000b8;
	[tilespmem:$0x10100] =	vst v63  }
0x55: {  	v3 =	vld [tilespmem:$0x60];
	_ =	sdelay $0x4  }
0x56: {  	v62 =	vshll.u32 v3, $0x1  }
0x57: {  	v3 =	vand.u32 $0x7, v3;
	v4 =	vand.u32 $0xFFFFFFF0, v62  }
0x58: {  	v3 =	vor.u32 v3, v4  }
0x59: {  	v4 =	vperm.xlane v3, v0;
	_ =	sdelay $0x1  }
0x5a: {  	v3 =	vperm.xlane v3, v2;
	v4 =	vadd.s32 v1, v4;
	_ =	sdelay $0x1  }
0x5b: {  	v3 =	vadd.s32 v1, v3;
	_ =	sdelay $0x2  }
0x5c: {  	[tilespmem:s20], [sflag:$0x5] =	stream.indirect_vreg.gather [hbm4b:s3+s2], $0x80, v4, vm0, $0x2000b8;
	[tilespmem:$0x10100] =	vst v63  }
0x5d: {  	_ = 	snop  }
0x5e: {  	[tilespmem:s21], [sflag:$0x5] =	stream.indirect_vreg.gather [hbm4b:s3+s2], $0x80, v3, vm0, $0x2000b8;
	[tilespmem:$0x10100] =	vst v63  }
0x5f: {  	v3 =	vld [tilespmem:$0x70];
	_ =	sdelay $0x4  }
0x60: {  	v63 =	vshll.u32 v3, $0x1  }
0x61: {  	v3 =	vand.u32 $0x7, v3;
	v4 =	vand.u32 $0xFFFFFFF0, v63  }
0x62: {  	v3 =	vor.u32 v3, v4  }
0x63: {  	v4 =	vperm.xlane v3, v0;
	_ =	sdelay $0x1  }
0x64: {  	v3 =	vperm.xlane v3, v2;
	v4 =	vadd.s32 v1, v4;
	_ =	sdelay $0x1  }
0x65: {  	v3 =	vadd.s32 v1, v3;
	_ =	sdelay $0x2  }
0x66: {  	[tilespmem:s22], [sflag:$0x5] =	stream.indirect_vreg.gather [hbm4b:s3+s2], $0x80, v4, vm0, $0x2000b8;
	[tilespmem:$0x10100] =	vst v63  }
0x67: {  	_ = 	snop  }
0x68: {  	[tilespmem:s23], [sflag:$0x5] =	stream.indirect_vreg.gather [hbm4b:s3+s2], $0x80, v3, vm0, $0x2000b8;
	[tilespmem:$0x10100] =	vst v63  }
0x69: {  	_ =	swait.ge [sflag:s24], $0x8000  }
0x6a: {  	[sflag:s24] =	ssyncset.done $0x0  }
0x6b: {  	[sflag:s24] =	ssyncadd.s32 $0xFFFF8000  }
0x6c: {  	_ =	strace $0x90000051  }
0x6d: {  	_ =	strace $0x80000052  }
0x6e: {  	[hbm4b:s5+s2] =	stream.linear.scatter [tilespmem:s8], [sflag:$0x3], $0x8000, $0x200038;
	[tilespmem:$0x10100] =	vst v63  }
0x6f: {  	p0 =	sne.s32 s6, $0x1;
	_ =	strace $0x90000052  }
.Ltmp0:
0x70: {  	_ =	strace $0x80000053;
	(pc) =	sbr.rel @p0 .LBB2_1-.Ltmp0, $4  }
0x71: {  	_ =	swait.ge [sflag:s25], $0x8000  }
0x72: {  	[sflag:s25] =	ssyncset.done $0x0  }
0x73: {  	[sflag:s25] =	ssyncadd.s32 $0xFFFF8000  }
0x74: {  	s6 =	sadd.s32 $0xFFFFFFFF, s6;
	_ =	strace $0x90000053  }
0x75: {  	_ =	sfence.sel $0x180000  }
0x76: {  	[bflag:$0x0] =	sbarrier.arrive $0xFFFF  }
0x77: {  	p0 =	sne.s32 s1, $0x0;
	_ =	strace $0x9000004E  }
0x78: {  	s0 =	sadd.s32 @!p0 $0x100000, s0;
	[bflag:$0x2] =	sbarrier.arrive $0xFFFF  }
0x79: {  	[sflag:s0] =	ssyncadd.tile.s32 @!p0 $0x1;
	_ =	shalt  }
.Lfunc_end2:
_tile_overlayer_lowered:
.L_overlay_start_2:
0x7a: {  	(tag) =	ssettag $0x2  }
0x7b: {  	s0 =	rddreg [dreg:$0x0];
	s2 =	stileid.u32  }
0x7c: {  	s1 =	rddreg [dreg:$0x1];
	p0 =	sne.s32 s2, $0x0  }
0x7d: {  	s3 =	rddreg [dreg:$0x2];
	[bflag:$0x3] =	sbarrier.arrive $0xFFFF;
	s2 =	simm.s32 @!p0 $0x1C01  }
0x7e: {  	[timem:s3], [sflag:s2] =	dma.local @!p0 [hbm:s0], s1  }
0x7f: {  	s0 =	simm.s32 @!p0 $0x1  }
0x80: {  	_ =	swait.ge @!p0 [sflag:s0], s1  }
0x81: {  	s1 =	ssub.s32 @!p0 $0x0, s1;
	[sflag:s0] =	ssyncset.done @!p0 $0x0  }
0x82: {  	[sflag:s0] =	ssyncadd.s32 @!p0 s1  }
0x83: {  	[bflag:$0x3] =	sbarrier.arrive $0xFFFF  }
0x84: {  	_ =	shalt  }

</sc_bundles>
